<compile_context>
chip_gen: v7x
topology: tpu7x:2x2x1
jax: 0.10.2.dev20260603
libtpu: 0.0.44.dev20260713+nightly
codegen_flags: <defaults>
</compile_context>

<pallas_src>
import functools

import jax
import jax.numpy as jnp
from jax import lax
from jax.experimental import pallas as pl
from jax.experimental.pallas import tpu as pltpu, tpu_sc as plsc

N = 4096
D = 128
HEADS = 4
F = 32
NW = 32
RPW = N // NW
NEG = -3.4e38
GT = 32


def _proj_body(x_ref, w_ref, asrc_ref, adst_ref, h_ref, es_ref, edt_ref):
    x = x_ref[...]
    h = jnp.dot(x, w_ref[...], preferred_element_type=jnp.float32)
    h_ref[...] = h
    es_ref[...] = jnp.dot(h, asrc_ref[...], preferred_element_type=jnp.float32)
    edt_ref[...] = jax.lax.dot_general(
        adst_ref[...], h, (((0,), (1,)), ((), ())),
        preferred_element_type=jnp.float32)


def _sc_body(adj_hbm, h_hbm, esrc_hbm, edt_hbm, out_hbm,
             rowbuf, idxbuf, esrc_v, edt_v, wbuf, rowsbuf, outrow, sem):
    wid = lax.axis_index("s") * 2 + lax.axis_index("c")
    pltpu.sync_copy(esrc_hbm.at[pl.ds(wid * (RPW * HEADS), RPW * HEADS)],
                    esrc_v)
    pltpu.sync_copy(edt_hbm, edt_v)

    lane = lax.iota(jnp.int32, 16)

    def row_body(rl, _):
        i = wid * RPW + rl
        pltpu.sync_copy(adj_hbm.at[i], rowbuf)

        def ext_body(k, off):
            c = rowbuf[pl.ds(k * 16, 16)]
            msk = c != 0.0
            pos = plsc.cumsum(msk.astype(jnp.int32)) - 1 + off
            plsc.store_scatter(idxbuf, [pos], lane + k * 16, mask=msk)
            return off + plsc.all_reduce_population_count(msk)

        dv = lax.fori_loop(0, N // 16, ext_body, jnp.zeros((16,), jnp.int32))
        d = jnp.max(dv)
        zeros16 = jnp.zeros((16,), jnp.int32)
        dsp = jnp.full((16,), d, jnp.int32)
        plsc.store_scatter(idxbuf, [dsp + lane], zeros16)
        plsc.store_scatter(idxbuf, [dsp + (lane + 16)], zeros16)
        plsc.store_scatter(idxbuf, [dsp + (lane + 32)], zeros16)
        nt = (d + 15) >> 4

        rscales = []
        for hd in range(HEADS):
            ssp = plsc.load_gather(
                esrc_v, [jnp.full((16,), rl * HEADS + hd, jnp.int32)])
            hsp = jnp.full((16,), hd, jnp.int32)

            def mx_body(t, mv, hsp=hsp, ssp=ssp):
                ji = idxbuf[pl.ds(t * 16, 16)]
                lm = (lane + t * 16) < dsp
                dv = plsc.load_gather(edt_v, [hsp, ji])
                tv = ssp + dv
                lg = jnp.maximum(tv, 0.2 * tv)
                lg = jnp.where(lm, lg, NEG)
                return jnp.maximum(mv, lg)

            mv = lax.fori_loop(0, nt, mx_body, jnp.full((16,), NEG))
            msp = plsc.cummax(lax.rev(plsc.cummax(mv), (0,)))

            def wz_body(t, zv, hsp=hsp, ssp=ssp, msp=msp, hd=hd):
                ji = idxbuf[pl.ds(t * 16, 16)]
                lm = (lane + t * 16) < dsp
                dv = plsc.load_gather(edt_v, [hsp, ji])
                tv = ssp + dv
                lg = jnp.maximum(tv, 0.2 * tv)
                lg = jnp.where(lm, lg, NEG)
                w = jnp.exp(lg - msp)
                wbuf[hd, pl.ds(t * 16, 16)] = w
                return zv + w

            zv = lax.fori_loop(0, nt, wz_body, jnp.zeros((16,), jnp.float32))
            zsp = plsc.cummax(lax.rev(plsc.cumsum(zv), (0,)))
            rscales.append(1.0 / zsp)

        def tile_body(t, acc):
            pltpu.async_copy(h_hbm.at[idxbuf.at[pl.ds(t * GT, GT)]],
                             rowsbuf, sem).wait()
            dt = jnp.minimum(d - t * GT, GT)

            def nb_body(jj, acc2, t=t):
                wsp = [plsc.load_gather(
                    wbuf, [jnp.full((16,), hd, jnp.int32),
                           jnp.full((16,), t * GT + jj, jnp.int32)])
                       for hd in range(HEADS)]
                new = []
                for k in range(8):
                    rv = rowsbuf[jj, pl.ds(k * 16, 16)]
                    new.append(acc2[k] + wsp[k // 2] * rv)
                return tuple(new)

            return lax.fori_loop(0, dt, nb_body, acc)

        acc0 = tuple(jnp.zeros((16,), jnp.float32) for _ in range(8))
        acc = lax.fori_loop(0, (d + GT - 1) >> 5, tile_body, acc0)
        for k in range(8):
            outrow[pl.ds(k * 16, 16)] = acc[k] * rscales[k // 2]
        pltpu.sync_copy(outrow, out_hbm.at[i])
        return 0

    lax.fori_loop(0, RPW, row_body, 0)


def kernel(x, adj, W, a_src, a_dst):
    heads, f = a_src.shape
    rows = jnp.arange(heads * f)
    cols = jnp.repeat(jnp.arange(heads), f)
    A_src = jnp.zeros((heads * f, heads), jnp.float32).at[rows, cols].set(
        a_src.reshape(-1))
    A_dst = jnp.zeros((heads * f, heads), jnp.float32).at[rows, cols].set(
        a_dst.reshape(-1))

    h, es, edt = pl.pallas_call(
        _proj_body,
        out_shape=[
            jax.ShapeDtypeStruct((N, D), jnp.float32),
            jax.ShapeDtypeStruct((N, HEADS), jnp.float32),
            jax.ShapeDtypeStruct((HEADS, N), jnp.float32),
        ],
    )(x, W, A_src, A_dst)
    esrc_flat = es.reshape(-1)

    mesh = plsc.VectorSubcoreMesh(core_axis_name="c", subcore_axis_name="s")
    sc = functools.partial(
        pl.kernel, mesh=mesh,
        compiler_params=pltpu.CompilerParams(needs_layout_passes=False),
        out_type=jax.ShapeDtypeStruct((N, D), jnp.float32),
        scratch_types=[
            pltpu.VMEM((N,), jnp.float32),
            pltpu.VMEM((N + 64,), jnp.int32),
            pltpu.VMEM((RPW * HEADS,), jnp.float32),
            pltpu.VMEM((HEADS, N), jnp.float32),
            pltpu.VMEM((HEADS, N), jnp.float32),
            pltpu.VMEM((GT, D), jnp.float32),
            pltpu.VMEM((D,), jnp.float32),
            pltpu.SemaphoreType.DMA,
        ],
    )(_sc_body)
    return sc(adj, h, esrc_flat, edt)

# --- scband reference (transcript-rebuilt; emitter-appended) ---
"""Pipeline reference for scband-spatial-gat-8985071583729 (READ-ONLY COPY).

The authoritative reference and input builder live on the scoring server;
editing this copy changes nothing except your own understanding.
"""

import jax, jax.numpy as jnp
import numpy as np

N = 4096
D = 128
HEADS = 4
OUT_DIM = 128
F = OUT_DIM // HEADS


def setup_inputs(seed: int = 0) -> dict:
    key = jax.random.key(seed)
    k1, k2, k3, k4, k5 = jax.random.split(key, 5)
    x = jax.random.normal(k1, (N, D), dtype=jnp.float32)
    # dense adjacency: binarize uniform noise to ~0.8% density (~33 avg degree) + self loops
    u = jax.random.uniform(k2, (N, N), dtype=jnp.float32)
    adj = (u < 0.008).astype(jnp.float32)
    adj = jnp.minimum(adj + jnp.eye(N, dtype=jnp.float32), 1.0)
    # learned params of GATConv (glorot-ish scaling)
    W = jax.random.normal(k3, (D, HEADS * F), dtype=jnp.float32) * (1.0 / np.sqrt(D))
    a_src = jax.random.normal(k4, (HEADS, F), dtype=jnp.float32) * 0.1
    a_dst = jax.random.normal(k5, (HEADS, F), dtype=jnp.float32) * 0.1
    return {"x": x, "adj": adj, "W": W, "a_src": a_src, "a_dst": a_dst}


def reference(x, adj, W, a_src, a_dst):
    # GATConv(out_dim // heads, heads=heads, concat=True), dense adjacency, no mask
    n = x.shape[0]
    heads, f = a_src.shape
    h = (x @ W).reshape(n, heads, f)                      # [N, H, F]
    e_src = jnp.einsum('nhf,hf->nh', h, a_src)            # [N, H]
    e_dst = jnp.einsum('nhf,hf->nh', h, a_dst)            # [N, H]
    # e_ij = LeakyReLU(a_src . h_i + a_dst . h_j)
    logits = jax.nn.leaky_relu(e_src[:, None, :] + e_dst[None, :, :], negative_slope=0.2)  # [N, N, H]
    mask = adj[:, :, None] > 0
    masked = jnp.where(mask, logits, jnp.float32(-1e9))
    alpha = jax.nn.softmax(masked, axis=1)                # softmax over neighbors j
    out = jnp.einsum('ijh,jhf->ihf', alpha, h)            # [N, H, F]
    return out.reshape(n, heads * f)                      # concat heads -> [N, out_dim]

if __name__ == "__main__":
    import jax
    _d = setup_inputs()
    print(jax.jit(kernel)(*tuple(_d.values())))

</pallas_src>

<mosaic_0001>
#map = affine_map<(d0, d1) -> (0, 0)>
#map1 = affine_map<(d0, d1) -> (0)>
module attributes {stable_mosaic.version = 14 : i64} {
  func.func @_sc_body(%arg0: i32, %arg1: i32, %arg2: memref<4096x4096xf32, #tpu.memory_space<hbm>>, %arg3: memref<4096x128xf32, #tpu.memory_space<hbm>>, %arg4: memref<16384xf32, #tpu.memory_space<hbm>>, %arg5: memref<4x4096xf32, #tpu.memory_space<hbm>>, %arg6: memref<4096x128xf32, #tpu.memory_space<hbm>>, %arg7: memref<4096xf32, #tpu.memory_space<vmem>>, %arg8: memref<4160xi32, #tpu.memory_space<vmem>>, %arg9: memref<512xf32, #tpu.memory_space<vmem>>, %arg10: memref<4x4096xf32, #tpu.memory_space<vmem>>, %arg11: memref<4x4096xf32, #tpu.memory_space<vmem>>, %arg12: memref<32x128xf32, #tpu.memory_space<vmem>>, %arg13: memref<128xf32, #tpu.memory_space<vmem>>, %arg14: memref<!tpu.dma_semaphore, #tpu.memory_space<semaphore_mem>>) attributes {dimension_semantics = [#tpu.dimension_semantics<core_parallel>, #tpu.dimension_semantics<subcore_parallel>], iteration_bounds = array<i64: 2, 16>, scalar_prefetch = 0 : i64, scratch_operands = 8 : i64, tpu.core_type = #tpu.core_type<sc_vector_subcore>, window_params = [{transform_indices = #map}, {transform_indices = #map}, {transform_indices = #map1}, {transform_indices = #map}, {transform_indices = #map}]} {
    %mul3A = arith.constant 2 : i32
    %mul3A_0 = arith.muli %arg1, %mul3A : i32
    %add3A = arith.addi %mul3A_0, %arg0 : i32
    %mul3A_1 = arith.constant 512 : i32
    %mul3A_2 = arith.muli %add3A, %mul3A_1 : i32
    "tpu.region"() ({
      %run_scoped3A = tpu.sem_alloc : memref<!tpu.dma_semaphore, #tpu.memory_space<semaphore_mem>>
      %dma_start3A = tpu.memref_slice %arg4[%mul3A_2] : memref<16384xf32, #tpu.memory_space<hbm>> -> memref<512xf32, #tpu.memory_space<hbm>>
      %dma_start3A_9 = tpu.memref_slice %arg4[%mul3A_2] : memref<16384xf32, #tpu.memory_space<hbm>> -> memref<512xf32, #tpu.memory_space<hbm>>
      tpu.enqueue_dma source(%dma_start3A_9 : memref<512xf32, #tpu.memory_space<hbm>>) target(%arg9 : memref<512xf32, #tpu.memory_space<vmem>>) target_semaphore(%run_scoped3A : memref<!tpu.dma_semaphore, #tpu.memory_space<semaphore_mem>>)
      %dma_wait3A = tpu.memref_slice %arg4[%mul3A_2] : memref<16384xf32, #tpu.memory_space<hbm>> -> memref<512xf32, #tpu.memory_space<hbm>>
      %dma_wait3A_10 = tpu.memref_slice %arg4[%mul3A_2] : memref<16384xf32, #tpu.memory_space<hbm>> -> memref<512xf32, #tpu.memory_space<hbm>>
      tpu.wait_dma2 semaphore(%run_scoped3A : memref<!tpu.dma_semaphore, #tpu.memory_space<semaphore_mem>>) src(%dma_wait3A_10 : memref<512xf32, #tpu.memory_space<hbm>>) dst(%arg9 : memref<512xf32, #tpu.memory_space<vmem>>)
      tpu.yield
    }) : () -> ()
    "tpu.region"() ({
      %run_scoped3A = tpu.sem_alloc : memref<!tpu.dma_semaphore, #tpu.memory_space<semaphore_mem>>
      tpu.enqueue_dma source(%arg5 : memref<4x4096xf32, #tpu.memory_space<hbm>>) target(%arg10 : memref<4x4096xf32, #tpu.memory_space<vmem>>) target_semaphore(%run_scoped3A : memref<!tpu.dma_semaphore, #tpu.memory_space<semaphore_mem>>)
      tpu.wait_dma2 semaphore(%run_scoped3A : memref<!tpu.dma_semaphore, #tpu.memory_space<semaphore_mem>>) src(%arg5 : memref<4x4096xf32, #tpu.memory_space<hbm>>) dst(%arg10 : memref<4x4096xf32, #tpu.memory_space<vmem>>)
      tpu.yield
    }) : () -> ()
    %iota3A = tpu.iota {dimensions = array<i32: 0>} : vector<16xi32>
    %scan3A = arith.constant 0 : i32
    %scan3A_3 = arith.constant 0 : i32
    %scan3A_4 = arith.constant 128 : i32
    %scan3A_5 = arith.addi %scan3A_3, %scan3A_4 : i32
    %scan3A_6 = arith.constant 1 : i32
    %scan3A_7 = scf.for %scan3A_9 = %scan3A_3 to %scan3A_5 step %scan3A_6 iter_args(%scan3A_10 = %scan3A) -> (i32)  : i32 {
      %mul3A_11 = arith.constant 128 : i32
      %mul3A_12 = arith.muli %add3A, %mul3A_11 : i32
      %add3A_13 = arith.addi %mul3A_12, %scan3A_9 : i32
      "tpu.region"() ({
        %run_scoped3A = tpu.sem_alloc : memref<!tpu.dma_semaphore, #tpu.memory_space<semaphore_mem>>
        %dma_start3A = arith.constant 0 : i32
        %dma_start3A_329 = tpu.memref_slice %arg2[%add3A_13, %dma_start3A] : memref<4096x4096xf32, #tpu.memory_space<hbm>> -> memref<1x4096xf32, #tpu.memory_space<hbm>>
        %dma_start3A_330 = tpu.memref_squeeze %dma_start3A_329 : memref<1x4096xf32, #tpu.memory_space<hbm>> -> memref<4096xf32, #tpu.memory_space<hbm>>
        %dma_start3A_331 = arith.constant 0 : i32
        %dma_start3A_332 = tpu.memref_slice %arg2[%add3A_13, %dma_start3A_331] : memref<4096x4096xf32, #tpu.memory_space<hbm>> -> memref<1x4096xf32, #tpu.memory_space<hbm>>
        %dma_start3A_333 = tpu.memref_squeeze %dma_start3A_332 : memref<1x4096xf32, #tpu.memory_space<hbm>> -> memref<4096xf32, #tpu.memory_space<hbm>>
        tpu.enqueue_dma source(%dma_start3A_333 : memref<4096xf32, #tpu.memory_space<hbm>>) target(%arg7 : memref<4096xf32, #tpu.memory_space<vmem>>) target_semaphore(%run_scoped3A : memref<!tpu.dma_semaphore, #tpu.memory_space<semaphore_mem>>)
        %dma_wait3A = arith.constant 0 : i32
        %dma_wait3A_334 = tpu.memref_slice %arg2[%add3A_13, %dma_wait3A] : memref<4096x4096xf32, #tpu.memory_space<hbm>> -> memref<1x4096xf32, #tpu.memory_space<hbm>>
        %dma_wait3A_335 = tpu.memref_squeeze %dma_wait3A_334 : memref<1x4096xf32, #tpu.memory_space<hbm>> -> memref<4096xf32, #tpu.memory_space<hbm>>
        %dma_wait3A_336 = arith.constant 0 : i32
        %dma_wait3A_337 = tpu.memref_slice %arg2[%add3A_13, %dma_wait3A_336] : memref<4096x4096xf32, #tpu.memory_space<hbm>> -> memref<1x4096xf32, #tpu.memory_space<hbm>>
        %dma_wait3A_338 = tpu.memref_squeeze %dma_wait3A_337 : memref<1x4096xf32, #tpu.memory_space<hbm>> -> memref<4096xf32, #tpu.memory_space<hbm>>
        tpu.wait_dma2 semaphore(%run_scoped3A : memref<!tpu.dma_semaphore, #tpu.memory_space<semaphore_mem>>) src(%dma_wait3A_338 : memref<4096xf32, #tpu.memory_space<hbm>>) dst(%arg7 : memref<4096xf32, #tpu.memory_space<vmem>>)
        tpu.yield
      }) : () -> ()
      %broadcast_in_dim3A = arith.constant 0 : i32
      %broadcast_in_dim3A_14 = vector.broadcast %broadcast_in_dim3A : i32 to vector<16xi32>
      %scan3A_15 = arith.constant 0 : i32
      %scan3A_16 = arith.constant 256 : i32
      %scan3A_17 = arith.addi %scan3A_15, %scan3A_16 : i32
      %scan3A_18 = arith.constant 1 : i32
      %scan3A_19 = scf.for %scan3A_329 = %scan3A_15 to %scan3A_17 step %scan3A_18 iter_args(%scan3A_330 = %broadcast_in_dim3A_14) -> (vector<16xi32>)  : i32 {
        %mul3A_331 = arith.constant 16 : i32
        %mul3A_332 = arith.muli %scan3A_329, %mul3A_331 : i32
        %get3A = arith.index_cast %mul3A_332 : i32 to index
        %get3A_333 = tpu.vector_load %arg7[%get3A] {strides = array<i32>} : memref<4096xf32, #tpu.memory_space<vmem>>, vector<16xf32>,
        %ne3A = arith.constant 0.000000e+00 : f32
        %ne3A_334 = vector.broadcast %ne3A : f32 to vector<16xf32>
        %ne3A_335 = arith.cmpf one, %get3A_333, %ne3A_334 : vector<16xf32>
        %convert_element_type3A = arith.extui %ne3A_335 : vector<16xi1> to vector<16xi32>
        %broadcast_in_dim3A_336 = arith.constant true
        %broadcast_in_dim3A_337 = vector.broadcast %broadcast_in_dim3A_336 : i1 to vector<16xi1>
        %masked_cumsum3A_338 = tpu.scan <sum>, %convert_element_type3A masked %broadcast_in_dim3A_337 : vector<16xi32>, vector<16xi1> -> vector<16xi32>
        %sub3A_339 = arith.constant 1 : i32
        %sub3A_340 = vector.broadcast %sub3A_339 : i32 to vector<16xi32>
        %sub3A_341 = arith.subi %masked_cumsum3A_338, %sub3A_340 : vector<16xi32>
        %add3A_342 = arith.addi %sub3A_341, %scan3A_330 : vector<16xi32>
        %mul3A_343 = arith.constant 16 : i32
        %mul3A_344 = arith.muli %scan3A_329, %mul3A_343 : i32
        %add3A_345 = vector.broadcast %mul3A_344 : i32 to vector<16xi32>
        %add3A_346 = arith.addi %iota3A, %add3A_345 : vector<16xi32>
        tpu.vector_store_idx %arg8[%add3A_342], %add3A_346 masked %ne3A_335 : memref<4160xi32, #tpu.memory_space<vmem>>[vector<16xi32>], vector<16xi32>, vector<16xi1>
        %all_reduce_population_count3A = tpu.all_reduce %ne3A_335 {dim = 0 : i64, kind = #tpu.reduction_kind<sum>} : vector<16xi1> -> vector<16xi32>
        %add3A_347 = arith.addi %scan3A_330, %all_reduce_population_count3A : vector<16xi32>
        scf.yield %add3A_347 : vector<16xi32>
      }
      %scan3A_20 = arith.constant 256 : i32
      %reduce_max3A = arith.constant true
      %reduce_max3A_21 = vector.broadcast %reduce_max3A : i1 to vector<16xi1>
      %reduce_max3A_22 = arith.constant -2147483648 : i32
      %reduce_max3A_23 = vector.broadcast %reduce_max3A_22 : i32 to vector<16xi32>
      %reduce_max3A_24 = arith.xori %scan3A_19, %reduce_max3A_23 : vector<16xi32>
      %reduce_max3A_25 = tpu.scan <max>, %reduce_max3A_24 masked %reduce_max3A_21 : vector<16xi32>, vector<16xi1> -> vector<16xi32>
      %reduce_max3A_26 = arith.xori %reduce_max3A_25, %reduce_max3A_23 : vector<16xi32>
      %reduce_max3A_27 = vector.extract %reduce_max3A_26[15] : i32 from vector<16xi32>
      %broadcast_in_dim3A_28 = arith.constant 0 : i32
      %broadcast_in_dim3A_29 = vector.broadcast %broadcast_in_dim3A_28 : i32 to vector<16xi32>
      %broadcast_in_dim3A_30 = vector.broadcast %reduce_max3A_27 : i32 to vector<16xi32>
      %add3A_31 = arith.addi %broadcast_in_dim3A_30, %iota3A : vector<16xi32>
      tpu.vector_store_idx %arg8[%add3A_31], %broadcast_in_dim3A_29 : memref<4160xi32, #tpu.memory_space<vmem>>[vector<16xi32>], vector<16xi32>,
      %add3A_32 = arith.constant 16 : i32
      %add3A_33 = vector.broadcast %add3A_32 : i32 to vector<16xi32>
      %add3A_34 = arith.addi %iota3A, %add3A_33 : vector<16xi32>
      %add3A_35 = arith.addi %broadcast_in_dim3A_30, %add3A_34 : vector<16xi32>
      tpu.vector_store_idx %arg8[%add3A_35], %broadcast_in_dim3A_29 : memref<4160xi32, #tpu.memory_space<vmem>>[vector<16xi32>], vector<16xi32>,
      %add3A_36 = arith.constant 32 : i32
      %add3A_37 = vector.broadcast %add3A_36 : i32 to vector<16xi32>
      %add3A_38 = arith.addi %iota3A, %add3A_37 : vector<16xi32>
      %add3A_39 = arith.addi %broadcast_in_dim3A_30, %add3A_38 : vector<16xi32>
      tpu.vector_store_idx %arg8[%add3A_39], %broadcast_in_dim3A_29 : memref<4160xi32, #tpu.memory_space<vmem>>[vector<16xi32>], vector<16xi32>,
      %add3A_40 = arith.constant 15 : i32
      %add3A_41 = arith.addi %reduce_max3A_27, %add3A_40 : i32
      %shift_right_arithmetic3A = arith.constant 4 : i32
      %shift_right_arithmetic3A_42 = arith.shrsi %add3A_41, %shift_right_arithmetic3A : i32
      %mul3A_43 = arith.constant 4 : i32
      %mul3A_44 = arith.muli %scan3A_9, %mul3A_43 : i32
      %add3A_45 = arith.constant 0 : i32
      %add3A_46 = arith.addi %mul3A_44, %add3A_45 : i32
      %broadcast_in_dim3A_47 = vector.broadcast %add3A_46 : i32 to vector<16xi32>
      %gather3A = tpu.vector_load_idx %arg9[%broadcast_in_dim3A_47] : memref<512xf32, #tpu.memory_space<vmem>>[vector<16xi32>], vector<16xf32>,
      %broadcast_in_dim3A_48 = arith.constant 0 : i32
      %broadcast_in_dim3A_49 = vector.broadcast %broadcast_in_dim3A_48 : i32 to vector<16xi32>
      %broadcast_in_dim3A_50 = arith.constant -3.400000e+38 : f32
      %broadcast_in_dim3A_51 = vector.broadcast %broadcast_in_dim3A_50 : f32 to vector<16xf32>
      %while3A = arith.constant 0 : i32
      %while3A_52 = arith.subi %shift_right_arithmetic3A_42, %while3A : i32
      %while3A_53 = arith.addi %while3A, %while3A_52 : i32
      %while3A_54 = arith.constant 1 : i32
      %while3A_55 = arith.divsi %while3A_52, %while3A_54 : i32
      %while3A_56 = arith.muli %while3A_55, %while3A_54 : i32
      %while3A_57 = arith.addi %while3A, %while3A_56 : i32
      %while3A_58 = arith.constant 1 : i32
      %while3A_59 = scf.for %while3A_329 = %while3A to %while3A_57 step %while3A_58 iter_args(%while3A_330 = %broadcast_in_dim3A_51) -> (vector<16xf32>)  : i32 {
        %mul3A_331 = arith.constant 16 : i32
        %mul3A_332 = arith.muli %while3A_329, %mul3A_331 : i32
        %get3A = arith.index_cast %mul3A_332 : i32 to index
        %get3A_333 = tpu.vector_load %arg8[%get3A] {strides = array<i32>} : memref<4160xi32, #tpu.memory_space<vmem>>, vector<16xi32>,
        %mul3A_334 = arith.constant 16 : i32
        %mul3A_335 = arith.muli %while3A_329, %mul3A_334 : i32
        %add3A_336 = vector.broadcast %mul3A_335 : i32 to vector<16xi32>
        %add3A_337 = arith.addi %iota3A, %add3A_336 : vector<16xi32>
        %lt3A = arith.cmpi slt, %add3A_337, %broadcast_in_dim3A_30 : vector<16xi32>
        %gather3A_338 = tpu.vector_load_idx %arg10[%broadcast_in_dim3A_49, %get3A_333] : memref<4x4096xf32, #tpu.memory_space<vmem>>[vector<16xi32>, vector<16xi32>], vector<16xf32>,
        %add3A_339 = arith.addf %gather3A, %gather3A_338 : vector<16xf32>
        %mul3A_340 = arith.constant 2.000000e-01 : f32
        %mul3A_341 = vector.broadcast %mul3A_340 : f32 to vector<16xf32>
        %mul3A_342 = arith.mulf %mul3A_341, %add3A_339 : vector<16xf32>
        %max3A = arith.maximumf %add3A_339, %mul3A_342 : vector<16xf32>
        %jit3A = arith.constant -3.400000e+38 : f32
        %broadcast_in_dim3A_343 = vector.broadcast %jit3A : f32 to vector<16xf32>
        %select_n3A = arith.select %lt3A, %max3A, %broadcast_in_dim3A_343 : vector<16xi1>, vector<16xf32>
        %max3A_344 = arith.maximumf %while3A_330, %select_n3A : vector<16xf32>
        scf.yield %max3A_344 : vector<16xf32>
      }
      %while3A_60 = arith.constant 1 : i32
      %while3A_61 = scf.for %while3A_329 = %while3A_57 to %while3A_53 step %while3A_60 iter_args(%while3A_330 = %while3A_59) -> (vector<16xf32>)  : i32 {
        %mul3A_331 = arith.constant 16 : i32
        %mul3A_332 = arith.muli %while3A_329, %mul3A_331 : i32
        %get3A = arith.index_cast %mul3A_332 : i32 to index
        %get3A_333 = tpu.vector_load %arg8[%get3A] {strides = array<i32>} : memref<4160xi32, #tpu.memory_space<vmem>>, vector<16xi32>,
        %mul3A_334 = arith.constant 16 : i32
        %mul3A_335 = arith.muli %while3A_329, %mul3A_334 : i32
        %add3A_336 = vector.broadcast %mul3A_335 : i32 to vector<16xi32>
        %add3A_337 = arith.addi %iota3A, %add3A_336 : vector<16xi32>
        %lt3A = arith.cmpi slt, %add3A_337, %broadcast_in_dim3A_30 : vector<16xi32>
        %gather3A_338 = tpu.vector_load_idx %arg10[%broadcast_in_dim3A_49, %get3A_333] : memref<4x4096xf32, #tpu.memory_space<vmem>>[vector<16xi32>, vector<16xi32>], vector<16xf32>,
        %add3A_339 = arith.addf %gather3A, %gather3A_338 : vector<16xf32>
        %mul3A_340 = arith.constant 2.000000e-01 : f32
        %mul3A_341 = vector.broadcast %mul3A_340 : f32 to vector<16xf32>
        %mul3A_342 = arith.mulf %mul3A_341, %add3A_339 : vector<16xf32>
        %max3A = arith.maximumf %add3A_339, %mul3A_342 : vector<16xf32>
        %jit3A = arith.constant -3.400000e+38 : f32
        %broadcast_in_dim3A_343 = vector.broadcast %jit3A : f32 to vector<16xf32>
        %select_n3A = arith.select %lt3A, %max3A, %broadcast_in_dim3A_343 : vector<16xi1>, vector<16xf32>
        %max3A_344 = arith.maximumf %while3A_330, %select_n3A : vector<16xf32>
        scf.yield %max3A_344 : vector<16xf32>
      }
      %broadcast_in_dim3A_62 = arith.constant true
      %broadcast_in_dim3A_63 = vector.broadcast %broadcast_in_dim3A_62 : i1 to vector<16xi1>
      %masked_cummax3A = tpu.scan <max>, %while3A_61 masked %broadcast_in_dim3A_63 : vector<16xf32>, vector<16xi1> -> vector<16xf32>
      %rev3A = arith.constant 15 : i32
      %rev3A_64 = vector.broadcast %rev3A : i32 to vector<16xi32>
      %rev3A_65 = tpu.iota {dimensions = array<i32: 0>} : vector<16xi32>
      %rev3A_66 = arith.subi %rev3A_64, %rev3A_65 : vector<16xi32>
      %rev3A_67 = tpu.dynamic_gather %masked_cummax3A[%rev3A_66] in [0] : vector<16xf32>, vector<16xi32> -> vector<16xf32>
      %broadcast_in_dim3A_68 = arith.constant true
      %broadcast_in_dim3A_69 = vector.broadcast %broadcast_in_dim3A_68 : i1 to vector<16xi1>
      %masked_cummax3A_70 = tpu.scan <max>, %rev3A_67 masked %broadcast_in_dim3A_69 : vector<16xf32>, vector<16xi1> -> vector<16xf32>
      %broadcast_in_dim3A_71 = arith.constant 0.000000e+00 : f32
      %broadcast_in_dim3A_72 = vector.broadcast %broadcast_in_dim3A_71 : f32 to vector<16xf32>
      %while3A_73 = arith.constant 0 : i32
      %while3A_74 = arith.subi %shift_right_arithmetic3A_42, %while3A_73 : i32
      %while3A_75 = arith.addi %while3A_73, %while3A_74 : i32
      %while3A_76 = arith.constant 1 : i32
      %while3A_77 = arith.divsi %while3A_74, %while3A_76 : i32
      %while3A_78 = arith.muli %while3A_77, %while3A_76 : i32
      %while3A_79 = arith.addi %while3A_73, %while3A_78 : i32
      %while3A_80 = arith.constant 1 : i32
      %while3A_81 = scf.for %while3A_329 = %while3A_73 to %while3A_79 step %while3A_80 iter_args(%while3A_330 = %broadcast_in_dim3A_72) -> (vector<16xf32>)  : i32 {
        %mul3A_331 = arith.constant 16 : i32
        %mul3A_332 = arith.muli %while3A_329, %mul3A_331 : i32
        %get3A = arith.index_cast %mul3A_332 : i32 to index
        %get3A_333 = tpu.vector_load %arg8[%get3A] {strides = array<i32>} : memref<4160xi32, #tpu.memory_space<vmem>>, vector<16xi32>,
        %mul3A_334 = arith.constant 16 : i32
        %mul3A_335 = arith.muli %while3A_329, %mul3A_334 : i32
        %add3A_336 = vector.broadcast %mul3A_335 : i32 to vector<16xi32>
        %add3A_337 = arith.addi %iota3A, %add3A_336 : vector<16xi32>
        %lt3A = arith.cmpi slt, %add3A_337, %broadcast_in_dim3A_30 : vector<16xi32>
        %gather3A_338 = tpu.vector_load_idx %arg10[%broadcast_in_dim3A_49, %get3A_333] : memref<4x4096xf32, #tpu.memory_space<vmem>>[vector<16xi32>, vector<16xi32>], vector<16xf32>,
        %add3A_339 = arith.addf %gather3A, %gather3A_338 : vector<16xf32>
        %mul3A_340 = arith.constant 2.000000e-01 : f32
        %mul3A_341 = vector.broadcast %mul3A_340 : f32 to vector<16xf32>
        %mul3A_342 = arith.mulf %mul3A_341, %add3A_339 : vector<16xf32>
        %max3A = arith.maximumf %add3A_339, %mul3A_342 : vector<16xf32>
        %jit3A = arith.constant -3.400000e+38 : f32
        %broadcast_in_dim3A_343 = vector.broadcast %jit3A : f32 to vector<16xf32>
        %select_n3A = arith.select %lt3A, %max3A, %broadcast_in_dim3A_343 : vector<16xi1>, vector<16xf32>
        %sub3A_344 = arith.subf %select_n3A, %masked_cummax3A_70 : vector<16xf32>
        %exp3A = math.exp %sub3A_344 : vector<16xf32>
        %mul3A_345 = arith.constant 16 : i32
        %mul3A_346 = arith.muli %while3A_329, %mul3A_345 : i32
        %swap3A_347 = arith.constant 0 : i32
        %swap3A_348 = arith.index_cast %swap3A_347 : i32 to index
        %swap3A_349 = arith.index_cast %mul3A_346 : i32 to index
        %swap3A_350 = tpu.vector_load %arg11[%swap3A_348, %swap3A_349] {strides = array<i32>} : memref<4x4096xf32, #tpu.memory_space<vmem>>, vector<16xf32>,
        tpu.vector_store %arg11[%swap3A_348, %swap3A_349], %exp3A {strides = array<i32>} : memref<4x4096xf32, #tpu.memory_space<vmem>>, vector<16xf32>,
        %add3A_351 = arith.addf %while3A_330, %exp3A : vector<16xf32>
        scf.yield %add3A_351 : vector<16xf32>
      }
      %while3A_82 = arith.constant 1 : i32
      %while3A_83 = scf.for %while3A_329 = %while3A_79 to %while3A_75 step %while3A_82 iter_args(%while3A_330 = %while3A_81) -> (vector<16xf32>)  : i32 {
        %mul3A_331 = arith.constant 16 : i32
        %mul3A_332 = arith.muli %while3A_329, %mul3A_331 : i32
        %get3A = arith.index_cast %mul3A_332 : i32 to index
        %get3A_333 = tpu.vector_load %arg8[%get3A] {strides = array<i32>} : memref<4160xi32, #tpu.memory_space<vmem>>, vector<16xi32>,
        %mul3A_334 = arith.constant 16 : i32
        %mul3A_335 = arith.muli %while3A_329, %mul3A_334 : i32
        %add3A_336 = vector.broadcast %mul3A_335 : i32 to vector<16xi32>
        %add3A_337 = arith.addi %iota3A, %add3A_336 : vector<16xi32>
        %lt3A = arith.cmpi slt, %add3A_337, %broadcast_in_dim3A_30 : vector<16xi32>
        %gather3A_338 = tpu.vector_load_idx %arg10[%broadcast_in_dim3A_49, %get3A_333] : memref<4x4096xf32, #tpu.memory_space<vmem>>[vector<16xi32>, vector<16xi32>], vector<16xf32>,
        %add3A_339 = arith.addf %gather3A, %gather3A_338 : vector<16xf32>
        %mul3A_340 = arith.constant 2.000000e-01 : f32
        %mul3A_341 = vector.broadcast %mul3A_340 : f32 to vector<16xf32>
        %mul3A_342 = arith.mulf %mul3A_341, %add3A_339 : vector<16xf32>
        %max3A = arith.maximumf %add3A_339, %mul3A_342 : vector<16xf32>
        %jit3A = arith.constant -3.400000e+38 : f32
        %broadcast_in_dim3A_343 = vector.broadcast %jit3A : f32 to vector<16xf32>
        %select_n3A = arith.select %lt3A, %max3A, %broadcast_in_dim3A_343 : vector<16xi1>, vector<16xf32>
        %sub3A_344 = arith.subf %select_n3A, %masked_cummax3A_70 : vector<16xf32>
        %exp3A = math.exp %sub3A_344 : vector<16xf32>
        %mul3A_345 = arith.constant 16 : i32
        %mul3A_346 = arith.muli %while3A_329, %mul3A_345 : i32
        %swap3A_347 = arith.constant 0 : i32
        %swap3A_348 = arith.index_cast %swap3A_347 : i32 to index
        %swap3A_349 = arith.index_cast %mul3A_346 : i32 to index
        %swap3A_350 = tpu.vector_load %arg11[%swap3A_348, %swap3A_349] {strides = array<i32>} : memref<4x4096xf32, #tpu.memory_space<vmem>>, vector<16xf32>,
        tpu.vector_store %arg11[%swap3A_348, %swap3A_349], %exp3A {strides = array<i32>} : memref<4x4096xf32, #tpu.memory_space<vmem>>, vector<16xf32>,
        %add3A_351 = arith.addf %while3A_330, %exp3A : vector<16xf32>
        scf.yield %add3A_351 : vector<16xf32>
      }
      %broadcast_in_dim3A_84 = arith.constant true
      %broadcast_in_dim3A_85 = vector.broadcast %broadcast_in_dim3A_84 : i1 to vector<16xi1>
      %masked_cumsum3A = tpu.scan <sum>, %while3A_83 masked %broadcast_in_dim3A_85 : vector<16xf32>, vector<16xi1> -> vector<16xf32>
      %rev3A_86 = arith.constant 15 : i32
      %rev3A_87 = vector.broadcast %rev3A_86 : i32 to vector<16xi32>
      %rev3A_88 = tpu.iota {dimensions = array<i32: 0>} : vector<16xi32>
      %rev3A_89 = arith.subi %rev3A_87, %rev3A_88 : vector<16xi32>
      %rev3A_90 = tpu.dynamic_gather %masked_cumsum3A[%rev3A_89] in [0] : vector<16xf32>, vector<16xi32> -> vector<16xf32>
      %broadcast_in_dim3A_91 = arith.constant true
      %broadcast_in_dim3A_92 = vector.broadcast %broadcast_in_dim3A_91 : i1 to vector<16xi1>
      %masked_cummax3A_93 = tpu.scan <max>, %rev3A_90 masked %broadcast_in_dim3A_92 : vector<16xf32>, vector<16xi1> -> vector<16xf32>
      %div3A = arith.constant 1.000000e+00 : f32
      %div3A_94 = vector.broadcast %div3A : f32 to vector<16xf32>
      %div3A_95 = arith.divf %div3A_94, %masked_cummax3A_93 : vector<16xf32>
      %mul3A_96 = arith.constant 4 : i32
      %mul3A_97 = arith.muli %scan3A_9, %mul3A_96 : i32
      %add3A_98 = arith.constant 1 : i32
      %add3A_99 = arith.addi %mul3A_97, %add3A_98 : i32
      %broadcast_in_dim3A_100 = vector.broadcast %add3A_99 : i32 to vector<16xi32>
      %gather3A_101 = tpu.vector_load_idx %arg9[%broadcast_in_dim3A_100] : memref<512xf32, #tpu.memory_space<vmem>>[vector<16xi32>], vector<16xf32>,
      %broadcast_in_dim3A_102 = arith.constant 1 : i32
      %broadcast_in_dim3A_103 = vector.broadcast %broadcast_in_dim3A_102 : i32 to vector<16xi32>
      %broadcast_in_dim3A_104 = arith.constant -3.400000e+38 : f32
      %broadcast_in_dim3A_105 = vector.broadcast %broadcast_in_dim3A_104 : f32 to vector<16xf32>
      %while3A_106 = arith.constant 0 : i32
      %while3A_107 = arith.subi %shift_right_arithmetic3A_42, %while3A_106 : i32
      %while3A_108 = arith.addi %while3A_106, %while3A_107 : i32
      %while3A_109 = arith.constant 1 : i32
      %while3A_110 = arith.divsi %while3A_107, %while3A_109 : i32
      %while3A_111 = arith.muli %while3A_110, %while3A_109 : i32
      %while3A_112 = arith.addi %while3A_106, %while3A_111 : i32
      %while3A_113 = arith.constant 1 : i32
      %while3A_114 = scf.for %while3A_329 = %while3A_106 to %while3A_112 step %while3A_113 iter_args(%while3A_330 = %broadcast_in_dim3A_105) -> (vector<16xf32>)  : i32 {
        %mul3A_331 = arith.constant 16 : i32
        %mul3A_332 = arith.muli %while3A_329, %mul3A_331 : i32
        %get3A = arith.index_cast %mul3A_332 : i32 to index
        %get3A_333 = tpu.vector_load %arg8[%get3A] {strides = array<i32>} : memref<4160xi32, #tpu.memory_space<vmem>>, vector<16xi32>,
        %mul3A_334 = arith.constant 16 : i32
        %mul3A_335 = arith.muli %while3A_329, %mul3A_334 : i32
        %add3A_336 = vector.broadcast %mul3A_335 : i32 to vector<16xi32>
        %add3A_337 = arith.addi %iota3A, %add3A_336 : vector<16xi32>
        %lt3A = arith.cmpi slt, %add3A_337, %broadcast_in_dim3A_30 : vector<16xi32>
        %gather3A_338 = tpu.vector_load_idx %arg10[%broadcast_in_dim3A_103, %get3A_333] : memref<4x4096xf32, #tpu.memory_space<vmem>>[vector<16xi32>, vector<16xi32>], vector<16xf32>,
        %add3A_339 = arith.addf %gather3A_101, %gather3A_338 : vector<16xf32>
        %mul3A_340 = arith.constant 2.000000e-01 : f32
        %mul3A_341 = vector.broadcast %mul3A_340 : f32 to vector<16xf32>
        %mul3A_342 = arith.mulf %mul3A_341, %add3A_339 : vector<16xf32>
        %max3A = arith.maximumf %add3A_339, %mul3A_342 : vector<16xf32>
        %jit3A = arith.constant -3.400000e+38 : f32
        %broadcast_in_dim3A_343 = vector.broadcast %jit3A : f32 to vector<16xf32>
        %select_n3A = arith.select %lt3A, %max3A, %broadcast_in_dim3A_343 : vector<16xi1>, vector<16xf32>
        %max3A_344 = arith.maximumf %while3A_330, %select_n3A : vector<16xf32>
        scf.yield %max3A_344 : vector<16xf32>
      }
      %while3A_115 = arith.constant 1 : i32
      %while3A_116 = scf.for %while3A_329 = %while3A_112 to %while3A_108 step %while3A_115 iter_args(%while3A_330 = %while3A_114) -> (vector<16xf32>)  : i32 {
        %mul3A_331 = arith.constant 16 : i32
        %mul3A_332 = arith.muli %while3A_329, %mul3A_331 : i32
        %get3A = arith.index_cast %mul3A_332 : i32 to index
        %get3A_333 = tpu.vector_load %arg8[%get3A] {strides = array<i32>} : memref<4160xi32, #tpu.memory_space<vmem>>, vector<16xi32>,
        %mul3A_334 = arith.constant 16 : i32
        %mul3A_335 = arith.muli %while3A_329, %mul3A_334 : i32
        %add3A_336 = vector.broadcast %mul3A_335 : i32 to vector<16xi32>
        %add3A_337 = arith.addi %iota3A, %add3A_336 : vector<16xi32>
        %lt3A = arith.cmpi slt, %add3A_337, %broadcast_in_dim3A_30 : vector<16xi32>
        %gather3A_338 = tpu.vector_load_idx %arg10[%broadcast_in_dim3A_103, %get3A_333] : memref<4x4096xf32, #tpu.memory_space<vmem>>[vector<16xi32>, vector<16xi32>], vector<16xf32>,
        %add3A_339 = arith.addf %gather3A_101, %gather3A_338 : vector<16xf32>
        %mul3A_340 = arith.constant 2.000000e-01 : f32
        %mul3A_341 = vector.broadcast %mul3A_340 : f32 to vector<16xf32>
        %mul3A_342 = arith.mulf %mul3A_341, %add3A_339 : vector<16xf32>
        %max3A = arith.maximumf %add3A_339, %mul3A_342 : vector<16xf32>
        %jit3A = arith.constant -3.400000e+38 : f32
        %broadcast_in_dim3A_343 = vector.broadcast %jit3A : f32 to vector<16xf32>
        %select_n3A = arith.select %lt3A, %max3A, %broadcast_in_dim3A_343 : vector<16xi1>, vector<16xf32>
        %max3A_344 = arith.maximumf %while3A_330, %select_n3A : vector<16xf32>
        scf.yield %max3A_344 : vector<16xf32>
      }
      %broadcast_in_dim3A_117 = arith.constant true
      %broadcast_in_dim3A_118 = vector.broadcast %broadcast_in_dim3A_117 : i1 to vector<16xi1>
      %masked_cummax3A_119 = tpu.scan <max>, %while3A_116 masked %broadcast_in_dim3A_118 : vector<16xf32>, vector<16xi1> -> vector<16xf32>
      %rev3A_120 = arith.constant 15 : i32
      %rev3A_121 = vector.broadcast %rev3A_120 : i32 to vector<16xi32>
      %rev3A_122 = tpu.iota {dimensions = array<i32: 0>} : vector<16xi32>
      %rev3A_123 = arith.subi %rev3A_121, %rev3A_122 : vector<16xi32>
      %rev3A_124 = tpu.dynamic_gather %masked_cummax3A_119[%rev3A_123] in [0] : vector<16xf32>, vector<16xi32> -> vector<16xf32>
      %broadcast_in_dim3A_125 = arith.constant true
      %broadcast_in_dim3A_126 = vector.broadcast %broadcast_in_dim3A_125 : i1 to vector<16xi1>
      %masked_cummax3A_127 = tpu.scan <max>, %rev3A_124 masked %broadcast_in_dim3A_126 : vector<16xf32>, vector<16xi1> -> vector<16xf32>
      %broadcast_in_dim3A_128 = arith.constant 0.000000e+00 : f32
      %broadcast_in_dim3A_129 = vector.broadcast %broadcast_in_dim3A_128 : f32 to vector<16xf32>
      %while3A_130 = arith.constant 0 : i32
      %while3A_131 = arith.subi %shift_right_arithmetic3A_42, %while3A_130 : i32
      %while3A_132 = arith.addi %while3A_130, %while3A_131 : i32
      %while3A_133 = arith.constant 1 : i32
      %while3A_134 = arith.divsi %while3A_131, %while3A_133 : i32
      %while3A_135 = arith.muli %while3A_134, %while3A_133 : i32
      %while3A_136 = arith.addi %while3A_130, %while3A_135 : i32
      %while3A_137 = arith.constant 1 : i32
      %while3A_138 = scf.for %while3A_329 = %while3A_130 to %while3A_136 step %while3A_137 iter_args(%while3A_330 = %broadcast_in_dim3A_129) -> (vector<16xf32>)  : i32 {
        %mul3A_331 = arith.constant 16 : i32
        %mul3A_332 = arith.muli %while3A_329, %mul3A_331 : i32
        %get3A = arith.index_cast %mul3A_332 : i32 to index
        %get3A_333 = tpu.vector_load %arg8[%get3A] {strides = array<i32>} : memref<4160xi32, #tpu.memory_space<vmem>>, vector<16xi32>,
        %mul3A_334 = arith.constant 16 : i32
        %mul3A_335 = arith.muli %while3A_329, %mul3A_334 : i32
        %add3A_336 = vector.broadcast %mul3A_335 : i32 to vector<16xi32>
        %add3A_337 = arith.addi %iota3A, %add3A_336 : vector<16xi32>
        %lt3A = arith.cmpi slt, %add3A_337, %broadcast_in_dim3A_30 : vector<16xi32>
        %gather3A_338 = tpu.vector_load_idx %arg10[%broadcast_in_dim3A_103, %get3A_333] : memref<4x4096xf32, #tpu.memory_space<vmem>>[vector<16xi32>, vector<16xi32>], vector<16xf32>,
        %add3A_339 = arith.addf %gather3A_101, %gather3A_338 : vector<16xf32>
        %mul3A_340 = arith.constant 2.000000e-01 : f32
        %mul3A_341 = vector.broadcast %mul3A_340 : f32 to vector<16xf32>
        %mul3A_342 = arith.mulf %mul3A_341, %add3A_339 : vector<16xf32>
        %max3A = arith.maximumf %add3A_339, %mul3A_342 : vector<16xf32>
        %jit3A = arith.constant -3.400000e+38 : f32
        %broadcast_in_dim3A_343 = vector.broadcast %jit3A : f32 to vector<16xf32>
        %select_n3A = arith.select %lt3A, %max3A, %broadcast_in_dim3A_343 : vector<16xi1>, vector<16xf32>
        %sub3A_344 = arith.subf %select_n3A, %masked_cummax3A_127 : vector<16xf32>
        %exp3A = math.exp %sub3A_344 : vector<16xf32>
        %mul3A_345 = arith.constant 16 : i32
        %mul3A_346 = arith.muli %while3A_329, %mul3A_345 : i32
        %swap3A_347 = arith.constant 1 : i32
        %swap3A_348 = arith.index_cast %swap3A_347 : i32 to index
        %swap3A_349 = arith.index_cast %mul3A_346 : i32 to index
        %swap3A_350 = tpu.vector_load %arg11[%swap3A_348, %swap3A_349] {strides = array<i32>} : memref<4x4096xf32, #tpu.memory_space<vmem>>, vector<16xf32>,
        tpu.vector_store %arg11[%swap3A_348, %swap3A_349], %exp3A {strides = array<i32>} : memref<4x4096xf32, #tpu.memory_space<vmem>>, vector<16xf32>,
        %add3A_351 = arith.addf %while3A_330, %exp3A : vector<16xf32>
        scf.yield %add3A_351 : vector<16xf32>
      }
      %while3A_139 = arith.constant 1 : i32
      %while3A_140 = scf.for %while3A_329 = %while3A_136 to %while3A_132 step %while3A_139 iter_args(%while3A_330 = %while3A_138) -> (vector<16xf32>)  : i32 {
        %mul3A_331 = arith.constant 16 : i32
        %mul3A_332 = arith.muli %while3A_329, %mul3A_331 : i32
        %get3A = arith.index_cast %mul3A_332 : i32 to index
        %get3A_333 = tpu.vector_load %arg8[%get3A] {strides = array<i32>} : memref<4160xi32, #tpu.memory_space<vmem>>, vector<16xi32>,
        %mul3A_334 = arith.constant 16 : i32
        %mul3A_335 = arith.muli %while3A_329, %mul3A_334 : i32
        %add3A_336 = vector.broadcast %mul3A_335 : i32 to vector<16xi32>
        %add3A_337 = arith.addi %iota3A, %add3A_336 : vector<16xi32>
        %lt3A = arith.cmpi slt, %add3A_337, %broadcast_in_dim3A_30 : vector<16xi32>
        %gather3A_338 = tpu.vector_load_idx %arg10[%broadcast_in_dim3A_103, %get3A_333] : memref<4x4096xf32, #tpu.memory_space<vmem>>[vector<16xi32>, vector<16xi32>], vector<16xf32>,
        %add3A_339 = arith.addf %gather3A_101, %gather3A_338 : vector<16xf32>
        %mul3A_340 = arith.constant 2.000000e-01 : f32
        %mul3A_341 = vector.broadcast %mul3A_340 : f32 to vector<16xf32>
        %mul3A_342 = arith.mulf %mul3A_341, %add3A_339 : vector<16xf32>
        %max3A = arith.maximumf %add3A_339, %mul3A_342 : vector<16xf32>
        %jit3A = arith.constant -3.400000e+38 : f32
        %broadcast_in_dim3A_343 = vector.broadcast %jit3A : f32 to vector<16xf32>
        %select_n3A = arith.select %lt3A, %max3A, %broadcast_in_dim3A_343 : vector<16xi1>, vector<16xf32>
        %sub3A_344 = arith.subf %select_n3A, %masked_cummax3A_127 : vector<16xf32>
        %exp3A = math.exp %sub3A_344 : vector<16xf32>
        %mul3A_345 = arith.constant 16 : i32
        %mul3A_346 = arith.muli %while3A_329, %mul3A_345 : i32
        %swap3A_347 = arith.constant 1 : i32
        %swap3A_348 = arith.index_cast %swap3A_347 : i32 to index
        %swap3A_349 = arith.index_cast %mul3A_346 : i32 to index
        %swap3A_350 = tpu.vector_load %arg11[%swap3A_348, %swap3A_349] {strides = array<i32>} : memref<4x4096xf32, #tpu.memory_space<vmem>>, vector<16xf32>,
        tpu.vector_store %arg11[%swap3A_348, %swap3A_349], %exp3A {strides = array<i32>} : memref<4x4096xf32, #tpu.memory_space<vmem>>, vector<16xf32>,
        %add3A_351 = arith.addf %while3A_330, %exp3A : vector<16xf32>
        scf.yield %add3A_351 : vector<16xf32>
      }
      %broadcast_in_dim3A_141 = arith.constant true
      %broadcast_in_dim3A_142 = vector.broadcast %broadcast_in_dim3A_141 : i1 to vector<16xi1>
      %masked_cumsum3A_143 = tpu.scan <sum>, %while3A_140 masked %broadcast_in_dim3A_142 : vector<16xf32>, vector<16xi1> -> vector<16xf32>
      %rev3A_144 = arith.constant 15 : i32
      %rev3A_145 = vector.broadcast %rev3A_144 : i32 to vector<16xi32>
      %rev3A_146 = tpu.iota {dimensions = array<i32: 0>} : vector<16xi32>
      %rev3A_147 = arith.subi %rev3A_145, %rev3A_146 : vector<16xi32>
      %rev3A_148 = tpu.dynamic_gather %masked_cumsum3A_143[%rev3A_147] in [0] : vector<16xf32>, vector<16xi32> -> vector<16xf32>
      %broadcast_in_dim3A_149 = arith.constant true
      %broadcast_in_dim3A_150 = vector.broadcast %broadcast_in_dim3A_149 : i1 to vector<16xi1>
      %masked_cummax3A_151 = tpu.scan <max>, %rev3A_148 masked %broadcast_in_dim3A_150 : vector<16xf32>, vector<16xi1> -> vector<16xf32>
      %div3A_152 = arith.constant 1.000000e+00 : f32
      %div3A_153 = vector.broadcast %div3A_152 : f32 to vector<16xf32>
      %div3A_154 = arith.divf %div3A_153, %masked_cummax3A_151 : vector<16xf32>
      %mul3A_155 = arith.constant 4 : i32
      %mul3A_156 = arith.muli %scan3A_9, %mul3A_155 : i32
      %add3A_157 = arith.constant 2 : i32
      %add3A_158 = arith.addi %mul3A_156, %add3A_157 : i32
      %broadcast_in_dim3A_159 = vector.broadcast %add3A_158 : i32 to vector<16xi32>
      %gather3A_160 = tpu.vector_load_idx %arg9[%broadcast_in_dim3A_159] : memref<512xf32, #tpu.memory_space<vmem>>[vector<16xi32>], vector<16xf32>,
      %broadcast_in_dim3A_161 = arith.constant 2 : i32
      %broadcast_in_dim3A_162 = vector.broadcast %broadcast_in_dim3A_161 : i32 to vector<16xi32>
      %broadcast_in_dim3A_163 = arith.constant -3.400000e+38 : f32
      %broadcast_in_dim3A_164 = vector.broadcast %broadcast_in_dim3A_163 : f32 to vector<16xf32>
      %while3A_165 = arith.constant 0 : i32
      %while3A_166 = arith.subi %shift_right_arithmetic3A_42, %while3A_165 : i32
      %while3A_167 = arith.addi %while3A_165, %while3A_166 : i32
      %while3A_168 = arith.constant 1 : i32
      %while3A_169 = arith.divsi %while3A_166, %while3A_168 : i32
      %while3A_170 = arith.muli %while3A_169, %while3A_168 : i32
      %while3A_171 = arith.addi %while3A_165, %while3A_170 : i32
      %while3A_172 = arith.constant 1 : i32
      %while3A_173 = scf.for %while3A_329 = %while3A_165 to %while3A_171 step %while3A_172 iter_args(%while3A_330 = %broadcast_in_dim3A_164) -> (vector<16xf32>)  : i32 {
        %mul3A_331 = arith.constant 16 : i32
        %mul3A_332 = arith.muli %while3A_329, %mul3A_331 : i32
        %get3A = arith.index_cast %mul3A_332 : i32 to index
        %get3A_333 = tpu.vector_load %arg8[%get3A] {strides = array<i32>} : memref<4160xi32, #tpu.memory_space<vmem>>, vector<16xi32>,
        %mul3A_334 = arith.constant 16 : i32
        %mul3A_335 = arith.muli %while3A_329, %mul3A_334 : i32
        %add3A_336 = vector.broadcast %mul3A_335 : i32 to vector<16xi32>
        %add3A_337 = arith.addi %iota3A, %add3A_336 : vector<16xi32>
        %lt3A = arith.cmpi slt, %add3A_337, %broadcast_in_dim3A_30 : vector<16xi32>
        %gather3A_338 = tpu.vector_load_idx %arg10[%broadcast_in_dim3A_162, %get3A_333] : memref<4x4096xf32, #tpu.memory_space<vmem>>[vector<16xi32>, vector<16xi32>], vector<16xf32>,
        %add3A_339 = arith.addf %gather3A_160, %gather3A_338 : vector<16xf32>
        %mul3A_340 = arith.constant 2.000000e-01 : f32
        %mul3A_341 = vector.broadcast %mul3A_340 : f32 to vector<16xf32>
        %mul3A_342 = arith.mulf %mul3A_341, %add3A_339 : vector<16xf32>
        %max3A = arith.maximumf %add3A_339, %mul3A_342 : vector<16xf32>
        %jit3A = arith.constant -3.400000e+38 : f32
        %broadcast_in_dim3A_343 = vector.broadcast %jit3A : f32 to vector<16xf32>
        %select_n3A = arith.select %lt3A, %max3A, %broadcast_in_dim3A_343 : vector<16xi1>, vector<16xf32>
        %max3A_344 = arith.maximumf %while3A_330, %select_n3A : vector<16xf32>
        scf.yield %max3A_344 : vector<16xf32>
      }
      %while3A_174 = arith.constant 1 : i32
      %while3A_175 = scf.for %while3A_329 = %while3A_171 to %while3A_167 step %while3A_174 iter_args(%while3A_330 = %while3A_173) -> (vector<16xf32>)  : i32 {
        %mul3A_331 = arith.constant 16 : i32
        %mul3A_332 = arith.muli %while3A_329, %mul3A_331 : i32
        %get3A = arith.index_cast %mul3A_332 : i32 to index
        %get3A_333 = tpu.vector_load %arg8[%get3A] {strides = array<i32>} : memref<4160xi32, #tpu.memory_space<vmem>>, vector<16xi32>,
        %mul3A_334 = arith.constant 16 : i32
        %mul3A_335 = arith.muli %while3A_329, %mul3A_334 : i32
        %add3A_336 = vector.broadcast %mul3A_335 : i32 to vector<16xi32>
        %add3A_337 = arith.addi %iota3A, %add3A_336 : vector<16xi32>
        %lt3A = arith.cmpi slt, %add3A_337, %broadcast_in_dim3A_30 : vector<16xi32>
        %gather3A_338 = tpu.vector_load_idx %arg10[%broadcast_in_dim3A_162, %get3A_333] : memref<4x4096xf32, #tpu.memory_space<vmem>>[vector<16xi32>, vector<16xi32>], vector<16xf32>,
        %add3A_339 = arith.addf %gather3A_160, %gather3A_338 : vector<16xf32>
        %mul3A_340 = arith.constant 2.000000e-01 : f32
        %mul3A_341 = vector.broadcast %mul3A_340 : f32 to vector<16xf32>
        %mul3A_342 = arith.mulf %mul3A_341, %add3A_339 : vector<16xf32>
        %max3A = arith.maximumf %add3A_339, %mul3A_342 : vector<16xf32>
        %jit3A = arith.constant -3.400000e+38 : f32
        %broadcast_in_dim3A_343 = vector.broadcast %jit3A : f32 to vector<16xf32>
        %select_n3A = arith.select %lt3A, %max3A, %broadcast_in_dim3A_343 : vector<16xi1>, vector<16xf32>
        %max3A_344 = arith.maximumf %while3A_330, %select_n3A : vector<16xf32>
        scf.yield %max3A_344 : vector<16xf32>
      }
      %broadcast_in_dim3A_176 = arith.constant true
      %broadcast_in_dim3A_177 = vector.broadcast %broadcast_in_dim3A_176 : i1 to vector<16xi1>
      %masked_cummax3A_178 = tpu.scan <max>, %while3A_175 masked %broadcast_in_dim3A_177 : vector<16xf32>, vector<16xi1> -> vector<16xf32>
      %rev3A_179 = arith.constant 15 : i32
      %rev3A_180 = vector.broadcast %rev3A_179 : i32 to vector<16xi32>
      %rev3A_181 = tpu.iota {dimensions = array<i32: 0>} : vector<16xi32>
      %rev3A_182 = arith.subi %rev3A_180, %rev3A_181 : vector<16xi32>
      %rev3A_183 = tpu.dynamic_gather %masked_cummax3A_178[%rev3A_182] in [0] : vector<16xf32>, vector<16xi32> -> vector<16xf32>
      %broadcast_in_dim3A_184 = arith.constant true
      %broadcast_in_dim3A_185 = vector.broadcast %broadcast_in_dim3A_184 : i1 to vector<16xi1>
      %masked_cummax3A_186 = tpu.scan <max>, %rev3A_183 masked %broadcast_in_dim3A_185 : vector<16xf32>, vector<16xi1> -> vector<16xf32>
      %broadcast_in_dim3A_187 = arith.constant 0.000000e+00 : f32
      %broadcast_in_dim3A_188 = vector.broadcast %broadcast_in_dim3A_187 : f32 to vector<16xf32>
      %while3A_189 = arith.constant 0 : i32
      %while3A_190 = arith.subi %shift_right_arithmetic3A_42, %while3A_189 : i32
      %while3A_191 = arith.addi %while3A_189, %while3A_190 : i32
      %while3A_192 = arith.constant 1 : i32
      %while3A_193 = arith.divsi %while3A_190, %while3A_192 : i32
      %while3A_194 = arith.muli %while3A_193, %while3A_192 : i32
      %while3A_195 = arith.addi %while3A_189, %while3A_194 : i32
      %while3A_196 = arith.constant 1 : i32
      %while3A_197 = scf.for %while3A_329 = %while3A_189 to %while3A_195 step %while3A_196 iter_args(%while3A_330 = %broadcast_in_dim3A_188) -> (vector<16xf32>)  : i32 {
        %mul3A_331 = arith.constant 16 : i32
        %mul3A_332 = arith.muli %while3A_329, %mul3A_331 : i32
        %get3A = arith.index_cast %mul3A_332 : i32 to index
        %get3A_333 = tpu.vector_load %arg8[%get3A] {strides = array<i32>} : memref<4160xi32, #tpu.memory_space<vmem>>, vector<16xi32>,
        %mul3A_334 = arith.constant 16 : i32
        %mul3A_335 = arith.muli %while3A_329, %mul3A_334 : i32
        %add3A_336 = vector.broadcast %mul3A_335 : i32 to vector<16xi32>
        %add3A_337 = arith.addi %iota3A, %add3A_336 : vector<16xi32>
        %lt3A = arith.cmpi slt, %add3A_337, %broadcast_in_dim3A_30 : vector<16xi32>
        %gather3A_338 = tpu.vector_load_idx %arg10[%broadcast_in_dim3A_162, %get3A_333] : memref<4x4096xf32, #tpu.memory_space<vmem>>[vector<16xi32>, vector<16xi32>], vector<16xf32>,
        %add3A_339 = arith.addf %gather3A_160, %gather3A_338 : vector<16xf32>
        %mul3A_340 = arith.constant 2.000000e-01 : f32
        %mul3A_341 = vector.broadcast %mul3A_340 : f32 to vector<16xf32>
        %mul3A_342 = arith.mulf %mul3A_341, %add3A_339 : vector<16xf32>
        %max3A = arith.maximumf %add3A_339, %mul3A_342 : vector<16xf32>
        %jit3A = arith.constant -3.400000e+38 : f32
        %broadcast_in_dim3A_343 = vector.broadcast %jit3A : f32 to vector<16xf32>
        %select_n3A = arith.select %lt3A, %max3A, %broadcast_in_dim3A_343 : vector<16xi1>, vector<16xf32>
        %sub3A_344 = arith.subf %select_n3A, %masked_cummax3A_186 : vector<16xf32>
        %exp3A = math.exp %sub3A_344 : vector<16xf32>
        %mul3A_345 = arith.constant 16 : i32
        %mul3A_346 = arith.muli %while3A_329, %mul3A_345 : i32
        %swap3A_347 = arith.constant 2 : i32
        %swap3A_348 = arith.index_cast %swap3A_347 : i32 to index
        %swap3A_349 = arith.index_cast %mul3A_346 : i32 to index
        %swap3A_350 = tpu.vector_load %arg11[%swap3A_348, %swap3A_349] {strides = array<i32>} : memref<4x4096xf32, #tpu.memory_space<vmem>>, vector<16xf32>,
        tpu.vector_store %arg11[%swap3A_348, %swap3A_349], %exp3A {strides = array<i32>} : memref<4x4096xf32, #tpu.memory_space<vmem>>, vector<16xf32>,
        %add3A_351 = arith.addf %while3A_330, %exp3A : vector<16xf32>
        scf.yield %add3A_351 : vector<16xf32>
      }
      %while3A_198 = arith.constant 1 : i32
      %while3A_199 = scf.for %while3A_329 = %while3A_195 to %while3A_191 step %while3A_198 iter_args(%while3A_330 = %while3A_197) -> (vector<16xf32>)  : i32 {
        %mul3A_331 = arith.constant 16 : i32
        %mul3A_332 = arith.muli %while3A_329, %mul3A_331 : i32
        %get3A = arith.index_cast %mul3A_332 : i32 to index
        %get3A_333 = tpu.vector_load %arg8[%get3A] {strides = array<i32>} : memref<4160xi32, #tpu.memory_space<vmem>>, vector<16xi32>,
        %mul3A_334 = arith.constant 16 : i32
        %mul3A_335 = arith.muli %while3A_329, %mul3A_334 : i32
        %add3A_336 = vector.broadcast %mul3A_335 : i32 to vector<16xi32>
        %add3A_337 = arith.addi %iota3A, %add3A_336 : vector<16xi32>
        %lt3A = arith.cmpi slt, %add3A_337, %broadcast_in_dim3A_30 : vector<16xi32>
        %gather3A_338 = tpu.vector_load_idx %arg10[%broadcast_in_dim3A_162, %get3A_333] : memref<4x4096xf32, #tpu.memory_space<vmem>>[vector<16xi32>, vector<16xi32>], vector<16xf32>,
        %add3A_339 = arith.addf %gather3A_160, %gather3A_338 : vector<16xf32>
        %mul3A_340 = arith.constant 2.000000e-01 : f32
        %mul3A_341 = vector.broadcast %mul3A_340 : f32 to vector<16xf32>
        %mul3A_342 = arith.mulf %mul3A_341, %add3A_339 : vector<16xf32>
        %max3A = arith.maximumf %add3A_339, %mul3A_342 : vector<16xf32>
        %jit3A = arith.constant -3.400000e+38 : f32
        %broadcast_in_dim3A_343 = vector.broadcast %jit3A : f32 to vector<16xf32>
        %select_n3A = arith.select %lt3A, %max3A, %broadcast_in_dim3A_343 : vector<16xi1>, vector<16xf32>
        %sub3A_344 = arith.subf %select_n3A, %masked_cummax3A_186 : vector<16xf32>
        %exp3A = math.exp %sub3A_344 : vector<16xf32>
        %mul3A_345 = arith.constant 16 : i32
        %mul3A_346 = arith.muli %while3A_329, %mul3A_345 : i32
        %swap3A_347 = arith.constant 2 : i32
        %swap3A_348 = arith.index_cast %swap3A_347 : i32 to index
        %swap3A_349 = arith.index_cast %mul3A_346 : i32 to index
        %swap3A_350 = tpu.vector_load %arg11[%swap3A_348, %swap3A_349] {strides = array<i32>} : memref<4x4096xf32, #tpu.memory_space<vmem>>, vector<16xf32>,
        tpu.vector_store %arg11[%swap3A_348, %swap3A_349], %exp3A {strides = array<i32>} : memref<4x4096xf32, #tpu.memory_space<vmem>>, vector<16xf32>,
        %add3A_351 = arith.addf %while3A_330, %exp3A : vector<16xf32>
        scf.yield %add3A_351 : vector<16xf32>
      }
      %broadcast_in_dim3A_200 = arith.constant true
      %broadcast_in_dim3A_201 = vector.broadcast %broadcast_in_dim3A_200 : i1 to vector<16xi1>
      %masked_cumsum3A_202 = tpu.scan <sum>, %while3A_199 masked %broadcast_in_dim3A_201 : vector<16xf32>, vector<16xi1> -> vector<16xf32>
      %rev3A_203 = arith.constant 15 : i32
      %rev3A_204 = vector.broadcast %rev3A_203 : i32 to vector<16xi32>
      %rev3A_205 = tpu.iota {dimensions = array<i32: 0>} : vector<16xi32>
      %rev3A_206 = arith.subi %rev3A_204, %rev3A_205 : vector<16xi32>
      %rev3A_207 = tpu.dynamic_gather %masked_cumsum3A_202[%rev3A_206] in [0] : vector<16xf32>, vector<16xi32> -> vector<16xf32>
      %broadcast_in_dim3A_208 = arith.constant true
      %broadcast_in_dim3A_209 = vector.broadcast %broadcast_in_dim3A_208 : i1 to vector<16xi1>
      %masked_cummax3A_210 = tpu.scan <max>, %rev3A_207 masked %broadcast_in_dim3A_209 : vector<16xf32>, vector<16xi1> -> vector<16xf32>
      %div3A_211 = arith.constant 1.000000e+00 : f32
      %div3A_212 = vector.broadcast %div3A_211 : f32 to vector<16xf32>
      %div3A_213 = arith.divf %div3A_212, %masked_cummax3A_210 : vector<16xf32>
      %mul3A_214 = arith.constant 4 : i32
      %mul3A_215 = arith.muli %scan3A_9, %mul3A_214 : i32
      %add3A_216 = arith.constant 3 : i32
      %add3A_217 = arith.addi %mul3A_215, %add3A_216 : i32
      %broadcast_in_dim3A_218 = vector.broadcast %add3A_217 : i32 to vector<16xi32>
      %gather3A_219 = tpu.vector_load_idx %arg9[%broadcast_in_dim3A_218] : memref<512xf32, #tpu.memory_space<vmem>>[vector<16xi32>], vector<16xf32>,
      %broadcast_in_dim3A_220 = arith.constant 3 : i32
      %broadcast_in_dim3A_221 = vector.broadcast %broadcast_in_dim3A_220 : i32 to vector<16xi32>
      %broadcast_in_dim3A_222 = arith.constant -3.400000e+38 : f32
      %broadcast_in_dim3A_223 = vector.broadcast %broadcast_in_dim3A_222 : f32 to vector<16xf32>
      %while3A_224 = arith.constant 0 : i32
      %while3A_225 = arith.subi %shift_right_arithmetic3A_42, %while3A_224 : i32
      %while3A_226 = arith.addi %while3A_224, %while3A_225 : i32
      %while3A_227 = arith.constant 1 : i32
      %while3A_228 = arith.divsi %while3A_225, %while3A_227 : i32
      %while3A_229 = arith.muli %while3A_228, %while3A_227 : i32
      %while3A_230 = arith.addi %while3A_224, %while3A_229 : i32
      %while3A_231 = arith.constant 1 : i32
      %while3A_232 = scf.for %while3A_329 = %while3A_224 to %while3A_230 step %while3A_231 iter_args(%while3A_330 = %broadcast_in_dim3A_223) -> (vector<16xf32>)  : i32 {
        %mul3A_331 = arith.constant 16 : i32
        %mul3A_332 = arith.muli %while3A_329, %mul3A_331 : i32
        %get3A = arith.index_cast %mul3A_332 : i32 to index
        %get3A_333 = tpu.vector_load %arg8[%get3A] {strides = array<i32>} : memref<4160xi32, #tpu.memory_space<vmem>>, vector<16xi32>,
        %mul3A_334 = arith.constant 16 : i32
        %mul3A_335 = arith.muli %while3A_329, %mul3A_334 : i32
        %add3A_336 = vector.broadcast %mul3A_335 : i32 to vector<16xi32>
        %add3A_337 = arith.addi %iota3A, %add3A_336 : vector<16xi32>
        %lt3A = arith.cmpi slt, %add3A_337, %broadcast_in_dim3A_30 : vector<16xi32>
        %gather3A_338 = tpu.vector_load_idx %arg10[%broadcast_in_dim3A_221, %get3A_333] : memref<4x4096xf32, #tpu.memory_space<vmem>>[vector<16xi32>, vector<16xi32>], vector<16xf32>,
        %add3A_339 = arith.addf %gather3A_219, %gather3A_338 : vector<16xf32>
        %mul3A_340 = arith.constant 2.000000e-01 : f32
        %mul3A_341 = vector.broadcast %mul3A_340 : f32 to vector<16xf32>
        %mul3A_342 = arith.mulf %mul3A_341, %add3A_339 : vector<16xf32>
        %max3A = arith.maximumf %add3A_339, %mul3A_342 : vector<16xf32>
        %jit3A = arith.constant -3.400000e+38 : f32
        %broadcast_in_dim3A_343 = vector.broadcast %jit3A : f32 to vector<16xf32>
        %select_n3A = arith.select %lt3A, %max3A, %broadcast_in_dim3A_343 : vector<16xi1>, vector<16xf32>
        %max3A_344 = arith.maximumf %while3A_330, %select_n3A : vector<16xf32>
        scf.yield %max3A_344 : vector<16xf32>
      }
      %while3A_233 = arith.constant 1 : i32
      %while3A_234 = scf.for %while3A_329 = %while3A_230 to %while3A_226 step %while3A_233 iter_args(%while3A_330 = %while3A_232) -> (vector<16xf32>)  : i32 {
        %mul3A_331 = arith.constant 16 : i32
        %mul3A_332 = arith.muli %while3A_329, %mul3A_331 : i32
        %get3A = arith.index_cast %mul3A_332 : i32 to index
        %get3A_333 = tpu.vector_load %arg8[%get3A] {strides = array<i32>} : memref<4160xi32, #tpu.memory_space<vmem>>, vector<16xi32>,
        %mul3A_334 = arith.constant 16 : i32
        %mul3A_335 = arith.muli %while3A_329, %mul3A_334 : i32
        %add3A_336 = vector.broadcast %mul3A_335 : i32 to vector<16xi32>
        %add3A_337 = arith.addi %iota3A, %add3A_336 : vector<16xi32>
        %lt3A = arith.cmpi slt, %add3A_337, %broadcast_in_dim3A_30 : vector<16xi32>
        %gather3A_338 = tpu.vector_load_idx %arg10[%broadcast_in_dim3A_221, %get3A_333] : memref<4x4096xf32, #tpu.memory_space<vmem>>[vector<16xi32>, vector<16xi32>], vector<16xf32>,
        %add3A_339 = arith.addf %gather3A_219, %gather3A_338 : vector<16xf32>
        %mul3A_340 = arith.constant 2.000000e-01 : f32
        %mul3A_341 = vector.broadcast %mul3A_340 : f32 to vector<16xf32>
        %mul3A_342 = arith.mulf %mul3A_341, %add3A_339 : vector<16xf32>
        %max3A = arith.maximumf %add3A_339, %mul3A_342 : vector<16xf32>
        %jit3A = arith.constant -3.400000e+38 : f32
        %broadcast_in_dim3A_343 = vector.broadcast %jit3A : f32 to vector<16xf32>
        %select_n3A = arith.select %lt3A, %max3A, %broadcast_in_dim3A_343 : vector<16xi1>, vector<16xf32>
        %max3A_344 = arith.maximumf %while3A_330, %select_n3A : vector<16xf32>
        scf.yield %max3A_344 : vector<16xf32>
      }
      %broadcast_in_dim3A_235 = arith.constant true
      %broadcast_in_dim3A_236 = vector.broadcast %broadcast_in_dim3A_235 : i1 to vector<16xi1>
      %masked_cummax3A_237 = tpu.scan <max>, %while3A_234 masked %broadcast_in_dim3A_236 : vector<16xf32>, vector<16xi1> -> vector<16xf32>
      %rev3A_238 = arith.constant 15 : i32
      %rev3A_239 = vector.broadcast %rev3A_238 : i32 to vector<16xi32>
      %rev3A_240 = tpu.iota {dimensions = array<i32: 0>} : vector<16xi32>
      %rev3A_241 = arith.subi %rev3A_239, %rev3A_240 : vector<16xi32>
      %rev3A_242 = tpu.dynamic_gather %masked_cummax3A_237[%rev3A_241] in [0] : vector<16xf32>, vector<16xi32> -> vector<16xf32>
      %broadcast_in_dim3A_243 = arith.constant true
      %broadcast_in_dim3A_244 = vector.broadcast %broadcast_in_dim3A_243 : i1 to vector<16xi1>
      %masked_cummax3A_245 = tpu.scan <max>, %rev3A_242 masked %broadcast_in_dim3A_244 : vector<16xf32>, vector<16xi1> -> vector<16xf32>
      %broadcast_in_dim3A_246 = arith.constant 0.000000e+00 : f32
      %broadcast_in_dim3A_247 = vector.broadcast %broadcast_in_dim3A_246 : f32 to vector<16xf32>
      %while3A_248 = arith.constant 0 : i32
      %while3A_249 = arith.subi %shift_right_arithmetic3A_42, %while3A_248 : i32
      %while3A_250 = arith.addi %while3A_248, %while3A_249 : i32
      %while3A_251 = arith.constant 1 : i32
      %while3A_252 = arith.divsi %while3A_249, %while3A_251 : i32
      %while3A_253 = arith.muli %while3A_252, %while3A_251 : i32
      %while3A_254 = arith.addi %while3A_248, %while3A_253 : i32
      %while3A_255 = arith.constant 1 : i32
      %while3A_256 = scf.for %while3A_329 = %while3A_248 to %while3A_254 step %while3A_255 iter_args(%while3A_330 = %broadcast_in_dim3A_247) -> (vector<16xf32>)  : i32 {
        %mul3A_331 = arith.constant 16 : i32
        %mul3A_332 = arith.muli %while3A_329, %mul3A_331 : i32
        %get3A = arith.index_cast %mul3A_332 : i32 to index
        %get3A_333 = tpu.vector_load %arg8[%get3A] {strides = array<i32>} : memref<4160xi32, #tpu.memory_space<vmem>>, vector<16xi32>,
        %mul3A_334 = arith.constant 16 : i32
        %mul3A_335 = arith.muli %while3A_329, %mul3A_334 : i32
        %add3A_336 = vector.broadcast %mul3A_335 : i32 to vector<16xi32>
        %add3A_337 = arith.addi %iota3A, %add3A_336 : vector<16xi32>
        %lt3A = arith.cmpi slt, %add3A_337, %broadcast_in_dim3A_30 : vector<16xi32>
        %gather3A_338 = tpu.vector_load_idx %arg10[%broadcast_in_dim3A_221, %get3A_333] : memref<4x4096xf32, #tpu.memory_space<vmem>>[vector<16xi32>, vector<16xi32>], vector<16xf32>,
        %add3A_339 = arith.addf %gather3A_219, %gather3A_338 : vector<16xf32>
        %mul3A_340 = arith.constant 2.000000e-01 : f32
        %mul3A_341 = vector.broadcast %mul3A_340 : f32 to vector<16xf32>
        %mul3A_342 = arith.mulf %mul3A_341, %add3A_339 : vector<16xf32>
        %max3A = arith.maximumf %add3A_339, %mul3A_342 : vector<16xf32>
        %jit3A = arith.constant -3.400000e+38 : f32
        %broadcast_in_dim3A_343 = vector.broadcast %jit3A : f32 to vector<16xf32>
        %select_n3A = arith.select %lt3A, %max3A, %broadcast_in_dim3A_343 : vector<16xi1>, vector<16xf32>
        %sub3A_344 = arith.subf %select_n3A, %masked_cummax3A_245 : vector<16xf32>
        %exp3A = math.exp %sub3A_344 : vector<16xf32>
        %mul3A_345 = arith.constant 16 : i32
        %mul3A_346 = arith.muli %while3A_329, %mul3A_345 : i32
        %swap3A_347 = arith.constant 3 : i32
        %swap3A_348 = arith.index_cast %swap3A_347 : i32 to index
        %swap3A_349 = arith.index_cast %mul3A_346 : i32 to index
        %swap3A_350 = tpu.vector_load %arg11[%swap3A_348, %swap3A_349] {strides = array<i32>} : memref<4x4096xf32, #tpu.memory_space<vmem>>, vector<16xf32>,
        tpu.vector_store %arg11[%swap3A_348, %swap3A_349], %exp3A {strides = array<i32>} : memref<4x4096xf32, #tpu.memory_space<vmem>>, vector<16xf32>,
        %add3A_351 = arith.addf %while3A_330, %exp3A : vector<16xf32>
        scf.yield %add3A_351 : vector<16xf32>
      }
      %while3A_257 = arith.constant 1 : i32
      %while3A_258 = scf.for %while3A_329 = %while3A_254 to %while3A_250 step %while3A_257 iter_args(%while3A_330 = %while3A_256) -> (vector<16xf32>)  : i32 {
        %mul3A_331 = arith.constant 16 : i32
        %mul3A_332 = arith.muli %while3A_329, %mul3A_331 : i32
        %get3A = arith.index_cast %mul3A_332 : i32 to index
        %get3A_333 = tpu.vector_load %arg8[%get3A] {strides = array<i32>} : memref<4160xi32, #tpu.memory_space<vmem>>, vector<16xi32>,
        %mul3A_334 = arith.constant 16 : i32
        %mul3A_335 = arith.muli %while3A_329, %mul3A_334 : i32
        %add3A_336 = vector.broadcast %mul3A_335 : i32 to vector<16xi32>
        %add3A_337 = arith.addi %iota3A, %add3A_336 : vector<16xi32>
        %lt3A = arith.cmpi slt, %add3A_337, %broadcast_in_dim3A_30 : vector<16xi32>
        %gather3A_338 = tpu.vector_load_idx %arg10[%broadcast_in_dim3A_221, %get3A_333] : memref<4x4096xf32, #tpu.memory_space<vmem>>[vector<16xi32>, vector<16xi32>], vector<16xf32>,
        %add3A_339 = arith.addf %gather3A_219, %gather3A_338 : vector<16xf32>
        %mul3A_340 = arith.constant 2.000000e-01 : f32
        %mul3A_341 = vector.broadcast %mul3A_340 : f32 to vector<16xf32>
        %mul3A_342 = arith.mulf %mul3A_341, %add3A_339 : vector<16xf32>
        %max3A = arith.maximumf %add3A_339, %mul3A_342 : vector<16xf32>
        %jit3A = arith.constant -3.400000e+38 : f32
        %broadcast_in_dim3A_343 = vector.broadcast %jit3A : f32 to vector<16xf32>
        %select_n3A = arith.select %lt3A, %max3A, %broadcast_in_dim3A_343 : vector<16xi1>, vector<16xf32>
        %sub3A_344 = arith.subf %select_n3A, %masked_cummax3A_245 : vector<16xf32>
        %exp3A = math.exp %sub3A_344 : vector<16xf32>
        %mul3A_345 = arith.constant 16 : i32
        %mul3A_346 = arith.muli %while3A_329, %mul3A_345 : i32
        %swap3A_347 = arith.constant 3 : i32
        %swap3A_348 = arith.index_cast %swap3A_347 : i32 to index
        %swap3A_349 = arith.index_cast %mul3A_346 : i32 to index
        %swap3A_350 = tpu.vector_load %arg11[%swap3A_348, %swap3A_349] {strides = array<i32>} : memref<4x4096xf32, #tpu.memory_space<vmem>>, vector<16xf32>,
        tpu.vector_store %arg11[%swap3A_348, %swap3A_349], %exp3A {strides = array<i32>} : memref<4x4096xf32, #tpu.memory_space<vmem>>, vector<16xf32>,
        %add3A_351 = arith.addf %while3A_330, %exp3A : vector<16xf32>
        scf.yield %add3A_351 : vector<16xf32>
      }
      %broadcast_in_dim3A_259 = arith.constant true
      %broadcast_in_dim3A_260 = vector.broadcast %broadcast_in_dim3A_259 : i1 to vector<16xi1>
      %masked_cumsum3A_261 = tpu.scan <sum>, %while3A_258 masked %broadcast_in_dim3A_260 : vector<16xf32>, vector<16xi1> -> vector<16xf32>
      %rev3A_262 = arith.constant 15 : i32
      %rev3A_263 = vector.broadcast %rev3A_262 : i32 to vector<16xi32>
      %rev3A_264 = tpu.iota {dimensions = array<i32: 0>} : vector<16xi32>
      %rev3A_265 = arith.subi %rev3A_263, %rev3A_264 : vector<16xi32>
      %rev3A_266 = tpu.dynamic_gather %masked_cumsum3A_261[%rev3A_265] in [0] : vector<16xf32>, vector<16xi32> -> vector<16xf32>
      %broadcast_in_dim3A_267 = arith.constant true
      %broadcast_in_dim3A_268 = vector.broadcast %broadcast_in_dim3A_267 : i1 to vector<16xi1>
      %masked_cummax3A_269 = tpu.scan <max>, %rev3A_266 masked %broadcast_in_dim3A_268 : vector<16xf32>, vector<16xi1> -> vector<16xf32>
      %div3A_270 = arith.constant 1.000000e+00 : f32
      %div3A_271 = vector.broadcast %div3A_270 : f32 to vector<16xf32>
      %div3A_272 = arith.divf %div3A_271, %masked_cummax3A_269 : vector<16xf32>
      %broadcast_in_dim3A_273 = arith.constant 0.000000e+00 : f32
      %broadcast_in_dim3A_274 = vector.broadcast %broadcast_in_dim3A_273 : f32 to vector<16xf32>
      %broadcast_in_dim3A_275 = arith.constant 0.000000e+00 : f32
      %broadcast_in_dim3A_276 = vector.broadcast %broadcast_in_dim3A_275 : f32 to vector<16xf32>
      %broadcast_in_dim3A_277 = arith.constant 0.000000e+00 : f32
      %broadcast_in_dim3A_278 = vector.broadcast %broadcast_in_dim3A_277 : f32 to vector<16xf32>
      %broadcast_in_dim3A_279 = arith.constant 0.000000e+00 : f32
      %broadcast_in_dim3A_280 = vector.broadcast %broadcast_in_dim3A_279 : f32 to vector<16xf32>
      %broadcast_in_dim3A_281 = arith.constant 0.000000e+00 : f32
      %broadcast_in_dim3A_282 = vector.broadcast %broadcast_in_dim3A_281 : f32 to vector<16xf32>
      %broadcast_in_dim3A_283 = arith.constant 0.000000e+00 : f32
      %broadcast_in_dim3A_284 = vector.broadcast %broadcast_in_dim3A_283 : f32 to vector<16xf32>
      %broadcast_in_dim3A_285 = arith.constant 0.000000e+00 : f32
      %broadcast_in_dim3A_286 = vector.broadcast %broadcast_in_dim3A_285 : f32 to vector<16xf32>
      %broadcast_in_dim3A_287 = arith.constant 0.000000e+00 : f32
      %broadcast_in_dim3A_288 = vector.broadcast %broadcast_in_dim3A_287 : f32 to vector<16xf32>
      %add3A_289 = arith.constant 32 : i32
      %add3A_290 = arith.addi %reduce_max3A_27, %add3A_289 : i32
      %sub3A = arith.constant 1 : i32
      %sub3A_291 = arith.subi %add3A_290, %sub3A : i32
      %shift_right_arithmetic3A_292 = arith.constant 5 : i32
      %shift_right_arithmetic3A_293 = arith.shrsi %sub3A_291, %shift_right_arithmetic3A_292 : i32
      %while3A_294 = arith.constant 0 : i32
      %while3A_295 = arith.subi %shift_right_arithmetic3A_293, %while3A_294 : i32
      %while3A_296 = arith.addi %while3A_294, %while3A_295 : i32
      %while3A_297 = arith.constant 1 : i32
      %while3A_298 = arith.divsi %while3A_295, %while3A_297 : i32
      %while3A_299 = arith.muli %while3A_298, %while3A_297 : i32
      %while3A_300 = arith.addi %while3A_294, %while3A_299 : i32
      %while3A_301 = arith.constant 1 : i32
      %while3A_302:8 = scf.for %while3A_329 = %while3A_294 to %while3A_300 step %while3A_301 iter_args(%while3A_330 = %broadcast_in_dim3A_274, %while3A_331 = %broadcast_in_dim3A_276, %while3A_332 = %broadcast_in_dim3A_278, %while3A_333 = %broadcast_in_dim3A_280, %while3A_334 = %broadcast_in_dim3A_282, %while3A_335 = %broadcast_in_dim3A_284, %while3A_336 = %broadcast_in_dim3A_286, %while3A_337 = %broadcast_in_dim3A_288) -> (vector<16xf32>, vector<16xf32>, vector<16xf32>, vector<16xf32>, vector<16xf32>, vector<16xf32>, vector<16xf32>, vector<16xf32>)  : i32 {
        %mul3A_338 = arith.constant 32 : i32
        %mul3A_339 = arith.muli %while3A_329, %mul3A_338 : i32
        %dma_start3A = tpu.memref_slice %arg8[%mul3A_339] : memref<4160xi32, #tpu.memory_space<vmem>> -> memref<32xi32, #tpu.memory_space<vmem>>
        %dma_start3A_340 = arith.constant 0 : i32
        %dma_start3A_341 = arith.constant 0 : i32
        %dma_start3A_342 = tpu.memref_slice %arg3[%dma_start3A_340, %dma_start3A_341] : memref<4096x128xf32, #tpu.memory_space<hbm>> -> memref<4096x128xf32, #tpu.memory_space<hbm>>
        tpu.enqueue_indirect_dma source(%dma_start3A_342 : memref<4096x128xf32, #tpu.memory_space<hbm>>) target(%arg12 : memref<32x128xf32, #tpu.memory_space<vmem>>) offsets(%dma_start3A : memref<32xi32, #tpu.memory_space<vmem>>) semaphore(%arg14 : memref<!tpu.dma_semaphore, #tpu.memory_space<semaphore_mem>>)
        %dma_wait3A = tpu.memref_slice %arg8[%mul3A_339] : memref<4160xi32, #tpu.memory_space<vmem>> -> memref<32xi32, #tpu.memory_space<vmem>>
        %dma_wait3A_343 = arith.constant 0 : i32
        %dma_wait3A_344 = arith.constant 0 : i32
        %dma_wait3A_345 = tpu.memref_slice %arg3[%dma_wait3A_343, %dma_wait3A_344] : memref<4096x128xf32, #tpu.memory_space<hbm>> -> memref<4096x128xf32, #tpu.memory_space<hbm>>
        tpu.wait_indirect_dma semaphore(%arg14 : memref<!tpu.dma_semaphore, #tpu.memory_space<semaphore_mem>>) src(%dma_wait3A_345 : memref<4096x128xf32, #tpu.memory_space<hbm>>) dst(%arg12 : memref<32x128xf32, #tpu.memory_space<vmem>>)
        %mul3A_346 = arith.constant 32 : i32
        %mul3A_347 = arith.muli %while3A_329, %mul3A_346 : i32
        %sub3A_348 = arith.subi %reduce_max3A_27, %mul3A_347 : i32
        %min3A = arith.constant 32 : i32
        %min3A_349 = arith.minsi %sub3A_348, %min3A : i32
        %while3A_350 = arith.constant 0 : i32
        %while3A_351 = arith.subi %min3A_349, %while3A_350 : i32
        %while3A_352 = arith.addi %while3A_350, %while3A_351 : i32
        %while3A_353 = arith.constant 1 : i32
        %while3A_354 = arith.divsi %while3A_351, %while3A_353 : i32
        %while3A_355 = arith.muli %while3A_354, %while3A_353 : i32
        %while3A_356 = arith.addi %while3A_350, %while3A_355 : i32
        %while3A_357 = arith.constant 1 : i32
        %while3A_358:8 = scf.for %while3A_361 = %while3A_350 to %while3A_356 step %while3A_357 iter_args(%while3A_362 = %while3A_330, %while3A_363 = %while3A_331, %while3A_364 = %while3A_332, %while3A_365 = %while3A_333, %while3A_366 = %while3A_334, %while3A_367 = %while3A_335, %while3A_368 = %while3A_336, %while3A_369 = %while3A_337) -> (vector<16xf32>, vector<16xf32>, vector<16xf32>, vector<16xf32>, vector<16xf32>, vector<16xf32>, vector<16xf32>, vector<16xf32>)  : i32 {
          %broadcast_in_dim3A_370 = arith.constant 0 : i32
          %broadcast_in_dim3A_371 = vector.broadcast %broadcast_in_dim3A_370 : i32 to vector<16xi32>
          %mul3A_372 = arith.constant 32 : i32
          %mul3A_373 = arith.muli %while3A_329, %mul3A_372 : i32
          %add3A_374 = arith.addi %mul3A_373, %while3A_361 : i32
          %broadcast_in_dim3A_375 = vector.broadcast %add3A_374 : i32 to vector<16xi32>
          %gather3A_376 = tpu.vector_load_idx %arg11[%broadcast_in_dim3A_371, %broadcast_in_dim3A_375] : memref<4x4096xf32, #tpu.memory_space<vmem>>[vector<16xi32>, vector<16xi32>], vector<16xf32>,
          %broadcast_in_dim3A_377 = arith.constant 1 : i32
          %broadcast_in_dim3A_378 = vector.broadcast %broadcast_in_dim3A_377 : i32 to vector<16xi32>
          %mul3A_379 = arith.constant 32 : i32
          %mul3A_380 = arith.muli %while3A_329, %mul3A_379 : i32
          %add3A_381 = arith.addi %mul3A_380, %while3A_361 : i32
          %broadcast_in_dim3A_382 = vector.broadcast %add3A_381 : i32 to vector<16xi32>
          %gather3A_383 = tpu.vector_load_idx %arg11[%broadcast_in_dim3A_378, %broadcast_in_dim3A_382] : memref<4x4096xf32, #tpu.memory_space<vmem>>[vector<16xi32>, vector<16xi32>], vector<16xf32>,
          %broadcast_in_dim3A_384 = arith.constant 2 : i32
          %broadcast_in_dim3A_385 = vector.broadcast %broadcast_in_dim3A_384 : i32 to vector<16xi32>
          %mul3A_386 = arith.constant 32 : i32
          %mul3A_387 = arith.muli %while3A_329, %mul3A_386 : i32
          %add3A_388 = arith.addi %mul3A_387, %while3A_361 : i32
          %broadcast_in_dim3A_389 = vector.broadcast %add3A_388 : i32 to vector<16xi32>
          %gather3A_390 = tpu.vector_load_idx %arg11[%broadcast_in_dim3A_385, %broadcast_in_dim3A_389] : memref<4x4096xf32, #tpu.memory_space<vmem>>[vector<16xi32>, vector<16xi32>], vector<16xf32>,
          %broadcast_in_dim3A_391 = arith.constant 3 : i32
          %broadcast_in_dim3A_392 = vector.broadcast %broadcast_in_dim3A_391 : i32 to vector<16xi32>
          %mul3A_393 = arith.constant 32 : i32
          %mul3A_394 = arith.muli %while3A_329, %mul3A_393 : i32
          %add3A_395 = arith.addi %mul3A_394, %while3A_361 : i32
          %broadcast_in_dim3A_396 = vector.broadcast %add3A_395 : i32 to vector<16xi32>
          %gather3A_397 = tpu.vector_load_idx %arg11[%broadcast_in_dim3A_392, %broadcast_in_dim3A_396] : memref<4x4096xf32, #tpu.memory_space<vmem>>[vector<16xi32>, vector<16xi32>], vector<16xf32>,
          %get3A = arith.index_cast %while3A_361 : i32 to index
          %get3A_398 = arith.constant 0 : index
          %get3A_399 = tpu.vector_load %arg12[%get3A, %get3A_398] {strides = array<i32>} : memref<32x128xf32, #tpu.memory_space<vmem>>, vector<16xf32>,
          %mul3A_400 = arith.mulf %gather3A_376, %get3A_399 : vector<16xf32>
          %add3A_401 = arith.addf %while3A_362, %mul3A_400 : vector<16xf32>
          %get3A_402 = arith.index_cast %while3A_361 : i32 to index
          %get3A_403 = arith.constant 16 : index
          %get3A_404 = tpu.vector_load %arg12[%get3A_402, %get3A_403] {strides = array<i32>} : memref<32x128xf32, #tpu.memory_space<vmem>>, vector<16xf32>,
          %mul3A_405 = arith.mulf %gather3A_376, %get3A_404 : vector<16xf32>
          %add3A_406 = arith.addf %while3A_363, %mul3A_405 : vector<16xf32>
          %get3A_407 = arith.index_cast %while3A_361 : i32 to index
          %get3A_408 = arith.constant 32 : index
          %get3A_409 = tpu.vector_load %arg12[%get3A_407, %get3A_408] {strides = array<i32>} : memref<32x128xf32, #tpu.memory_space<vmem>>, vector<16xf32>,
          %mul3A_410 = arith.mulf %gather3A_383, %get3A_409 : vector<16xf32>
          %add3A_411 = arith.addf %while3A_364, %mul3A_410 : vector<16xf32>
          %get3A_412 = arith.index_cast %while3A_361 : i32 to index
          %get3A_413 = arith.constant 48 : index
          %get3A_414 = tpu.vector_load %arg12[%get3A_412, %get3A_413] {strides = array<i32>} : memref<32x128xf32, #tpu.memory_space<vmem>>, vector<16xf32>,
          %mul3A_415 = arith.mulf %gather3A_383, %get3A_414 : vector<16xf32>
          %add3A_416 = arith.addf %while3A_365, %mul3A_415 : vector<16xf32>
          %get3A_417 = arith.index_cast %while3A_361 : i32 to index
          %get3A_418 = arith.constant 64 : index
          %get3A_419 = tpu.vector_load %arg12[%get3A_417, %get3A_418] {strides = array<i32>} : memref<32x128xf32, #tpu.memory_space<vmem>>, vector<16xf32>,
          %mul3A_420 = arith.mulf %gather3A_390, %get3A_419 : vector<16xf32>
          %add3A_421 = arith.addf %while3A_366, %mul3A_420 : vector<16xf32>
          %get3A_422 = arith.index_cast %while3A_361 : i32 to index
          %get3A_423 = arith.constant 80 : index
          %get3A_424 = tpu.vector_load %arg12[%get3A_422, %get3A_423] {strides = array<i32>} : memref<32x128xf32, #tpu.memory_space<vmem>>, vector<16xf32>,
          %mul3A_425 = arith.mulf %gather3A_390, %get3A_424 : vector<16xf32>
          %add3A_426 = arith.addf %while3A_367, %mul3A_425 : vector<16xf32>
          %get3A_427 = arith.index_cast %while3A_361 : i32 to index
          %get3A_428 = arith.constant 96 : index
          %get3A_429 = tpu.vector_load %arg12[%get3A_427, %get3A_428] {strides = array<i32>} : memref<32x128xf32, #tpu.memory_space<vmem>>, vector<16xf32>,
          %mul3A_430 = arith.mulf %gather3A_397, %get3A_429 : vector<16xf32>
          %add3A_431 = arith.addf %while3A_368, %mul3A_430 : vector<16xf32>
          %get3A_432 = arith.index_cast %while3A_361 : i32 to index
          %get3A_433 = arith.constant 112 : index
          %get3A_434 = tpu.vector_load %arg12[%get3A_432, %get3A_433] {strides = array<i32>} : memref<32x128xf32, #tpu.memory_space<vmem>>, vector<16xf32>,
          %mul3A_435 = arith.mulf %gather3A_397, %get3A_434 : vector<16xf32>
          %add3A_436 = arith.addf %while3A_369, %mul3A_435 : vector<16xf32>
          scf.yield %add3A_401, %add3A_406, %add3A_411, %add3A_416, %add3A_421, %add3A_426, %add3A_431, %add3A_436 : vector<16xf32>, vector<16xf32>, vector<16xf32>, vector<16xf32>, vector<16xf32>, vector<16xf32>, vector<16xf32>, vector<16xf32>
        }
        %while3A_359 = arith.constant 1 : i32
        %while3A_360:8 = scf.for %while3A_361 = %while3A_356 to %while3A_352 step %while3A_359 iter_args(%while3A_362 = %while3A_358#0, %while3A_363 = %while3A_358#1, %while3A_364 = %while3A_358#2, %while3A_365 = %while3A_358#3, %while3A_366 = %while3A_358#4, %while3A_367 = %while3A_358#5, %while3A_368 = %while3A_358#6, %while3A_369 = %while3A_358#7) -> (vector<16xf32>, vector<16xf32>, vector<16xf32>, vector<16xf32>, vector<16xf32>, vector<16xf32>, vector<16xf32>, vector<16xf32>)  : i32 {
          %broadcast_in_dim3A_370 = arith.constant 0 : i32
          %broadcast_in_dim3A_371 = vector.broadcast %broadcast_in_dim3A_370 : i32 to vector<16xi32>
          %mul3A_372 = arith.constant 32 : i32
          %mul3A_373 = arith.muli %while3A_329, %mul3A_372 : i32
          %add3A_374 = arith.addi %mul3A_373, %while3A_361 : i32
          %broadcast_in_dim3A_375 = vector.broadcast %add3A_374 : i32 to vector<16xi32>
          %gather3A_376 = tpu.vector_load_idx %arg11[%broadcast_in_dim3A_371, %broadcast_in_dim3A_375] : memref<4x4096xf32, #tpu.memory_space<vmem>>[vector<16xi32>, vector<16xi32>], vector<16xf32>,
          %broadcast_in_dim3A_377 = arith.constant 1 : i32
          %broadcast_in_dim3A_378 = vector.broadcast %broadcast_in_dim3A_377 : i32 to vector<16xi32>
          %mul3A_379 = arith.constant 32 : i32
          %mul3A_380 = arith.muli %while3A_329, %mul3A_379 : i32
          %add3A_381 = arith.addi %mul3A_380, %while3A_361 : i32
          %broadcast_in_dim3A_382 = vector.broadcast %add3A_381 : i32 to vector<16xi32>
          %gather3A_383 = tpu.vector_load_idx %arg11[%broadcast_in_dim3A_378, %broadcast_in_dim3A_382] : memref<4x4096xf32, #tpu.memory_space<vmem>>[vector<16xi32>, vector<16xi32>], vector<16xf32>,
          %broadcast_in_dim3A_384 = arith.constant 2 : i32
          %broadcast_in_dim3A_385 = vector.broadcast %broadcast_in_dim3A_384 : i32 to vector<16xi32>
          %mul3A_386 = arith.constant 32 : i32
          %mul3A_387 = arith.muli %while3A_329, %mul3A_386 : i32
          %add3A_388 = arith.addi %mul3A_387, %while3A_361 : i32
          %broadcast_in_dim3A_389 = vector.broadcast %add3A_388 : i32 to vector<16xi32>
          %gather3A_390 = tpu.vector_load_idx %arg11[%broadcast_in_dim3A_385, %broadcast_in_dim3A_389] : memref<4x4096xf32, #tpu.memory_space<vmem>>[vector<16xi32>, vector<16xi32>], vector<16xf32>,
          %broadcast_in_dim3A_391 = arith.constant 3 : i32
          %broadcast_in_dim3A_392 = vector.broadcast %broadcast_in_dim3A_391 : i32 to vector<16xi32>
          %mul3A_393 = arith.constant 32 : i32
          %mul3A_394 = arith.muli %while3A_329, %mul3A_393 : i32
          %add3A_395 = arith.addi %mul3A_394, %while3A_361 : i32
          %broadcast_in_dim3A_396 = vector.broadcast %add3A_395 : i32 to vector<16xi32>
          %gather3A_397 = tpu.vector_load_idx %arg11[%broadcast_in_dim3A_392, %broadcast_in_dim3A_396] : memref<4x4096xf32, #tpu.memory_space<vmem>>[vector<16xi32>, vector<16xi32>], vector<16xf32>,
          %get3A = arith.index_cast %while3A_361 : i32 to index
          %get3A_398 = arith.constant 0 : index
          %get3A_399 = tpu.vector_load %arg12[%get3A, %get3A_398] {strides = array<i32>} : memref<32x128xf32, #tpu.memory_space<vmem>>, vector<16xf32>,
          %mul3A_400 = arith.mulf %gather3A_376, %get3A_399 : vector<16xf32>
          %add3A_401 = arith.addf %while3A_362, %mul3A_400 : vector<16xf32>
          %get3A_402 = arith.index_cast %while3A_361 : i32 to index
          %get3A_403 = arith.constant 16 : index
          %get3A_404 = tpu.vector_load %arg12[%get3A_402, %get3A_403] {strides = array<i32>} : memref<32x128xf32, #tpu.memory_space<vmem>>, vector<16xf32>,
          %mul3A_405 = arith.mulf %gather3A_376, %get3A_404 : vector<16xf32>
          %add3A_406 = arith.addf %while3A_363, %mul3A_405 : vector<16xf32>
          %get3A_407 = arith.index_cast %while3A_361 : i32 to index
          %get3A_408 = arith.constant 32 : index
          %get3A_409 = tpu.vector_load %arg12[%get3A_407, %get3A_408] {strides = array<i32>} : memref<32x128xf32, #tpu.memory_space<vmem>>, vector<16xf32>,
          %mul3A_410 = arith.mulf %gather3A_383, %get3A_409 : vector<16xf32>
          %add3A_411 = arith.addf %while3A_364, %mul3A_410 : vector<16xf32>
          %get3A_412 = arith.index_cast %while3A_361 : i32 to index
          %get3A_413 = arith.constant 48 : index
          %get3A_414 = tpu.vector_load %arg12[%get3A_412, %get3A_413] {strides = array<i32>} : memref<32x128xf32, #tpu.memory_space<vmem>>, vector<16xf32>,
          %mul3A_415 = arith.mulf %gather3A_383, %get3A_414 : vector<16xf32>
          %add3A_416 = arith.addf %while3A_365, %mul3A_415 : vector<16xf32>
          %get3A_417 = arith.index_cast %while3A_361 : i32 to index
          %get3A_418 = arith.constant 64 : index
          %get3A_419 = tpu.vector_load %arg12[%get3A_417, %get3A_418] {strides = array<i32>} : memref<32x128xf32, #tpu.memory_space<vmem>>, vector<16xf32>,
          %mul3A_420 = arith.mulf %gather3A_390, %get3A_419 : vector<16xf32>
          %add3A_421 = arith.addf %while3A_366, %mul3A_420 : vector<16xf32>
          %get3A_422 = arith.index_cast %while3A_361 : i32 to index
          %get3A_423 = arith.constant 80 : index
          %get3A_424 = tpu.vector_load %arg12[%get3A_422, %get3A_423] {strides = array<i32>} : memref<32x128xf32, #tpu.memory_space<vmem>>, vector<16xf32>,
          %mul3A_425 = arith.mulf %gather3A_390, %get3A_424 : vector<16xf32>
          %add3A_426 = arith.addf %while3A_367, %mul3A_425 : vector<16xf32>
          %get3A_427 = arith.index_cast %while3A_361 : i32 to index
          %get3A_428 = arith.constant 96 : index
          %get3A_429 = tpu.vector_load %arg12[%get3A_427, %get3A_428] {strides = array<i32>} : memref<32x128xf32, #tpu.memory_space<vmem>>, vector<16xf32>,
          %mul3A_430 = arith.mulf %gather3A_397, %get3A_429 : vector<16xf32>
          %add3A_431 = arith.addf %while3A_368, %mul3A_430 : vector<16xf32>
          %get3A_432 = arith.index_cast %while3A_361 : i32 to index
          %get3A_433 = arith.constant 112 : index
          %get3A_434 = tpu.vector_load %arg12[%get3A_432, %get3A_433] {strides = array<i32>} : memref<32x128xf32, #tpu.memory_space<vmem>>, vector<16xf32>,
          %mul3A_435 = arith.mulf %gather3A_397, %get3A_434 : vector<16xf32>
          %add3A_436 = arith.addf %while3A_369, %mul3A_435 : vector<16xf32>
          scf.yield %add3A_401, %add3A_406, %add3A_411, %add3A_416, %add3A_421, %add3A_426, %add3A_431, %add3A_436 : vector<16xf32>, vector<16xf32>, vector<16xf32>, vector<16xf32>, vector<16xf32>, vector<16xf32>, vector<16xf32>, vector<16xf32>
        }
        scf.yield %while3A_360#0, %while3A_360#1, %while3A_360#2, %while3A_360#3, %while3A_360#4, %while3A_360#5, %while3A_360#6, %while3A_360#7 : vector<16xf32>, vector<16xf32>, vector<16xf32>, vector<16xf32>, vector<16xf32>, vector<16xf32>, vector<16xf32>, vector<16xf32>
      }
      %while3A_303 = arith.constant 1 : i32
      %while3A_304:8 = scf.for %while3A_329 = %while3A_300 to %while3A_296 step %while3A_303 iter_args(%while3A_330 = %while3A_302#0, %while3A_331 = %while3A_302#1, %while3A_332 = %while3A_302#2, %while3A_333 = %while3A_302#3, %while3A_334 = %while3A_302#4, %while3A_335 = %while3A_302#5, %while3A_336 = %while3A_302#6, %while3A_337 = %while3A_302#7) -> (vector<16xf32>, vector<16xf32>, vector<16xf32>, vector<16xf32>, vector<16xf32>, vector<16xf32>, vector<16xf32>, vector<16xf32>)  : i32 {
        %mul3A_338 = arith.constant 32 : i32
        %mul3A_339 = arith.muli %while3A_329, %mul3A_338 : i32
        %dma_start3A = tpu.memref_slice %arg8[%mul3A_339] : memref<4160xi32, #tpu.memory_space<vmem>> -> memref<32xi32, #tpu.memory_space<vmem>>
        %dma_start3A_340 = arith.constant 0 : i32
        %dma_start3A_341 = arith.constant 0 : i32
        %dma_start3A_342 = tpu.memref_slice %arg3[%dma_start3A_340, %dma_start3A_341] : memref<4096x128xf32, #tpu.memory_space<hbm>> -> memref<4096x128xf32, #tpu.memory_space<hbm>>
        tpu.enqueue_indirect_dma source(%dma_start3A_342 : memref<4096x128xf32, #tpu.memory_space<hbm>>) target(%arg12 : memref<32x128xf32, #tpu.memory_space<vmem>>) offsets(%dma_start3A : memref<32xi32, #tpu.memory_space<vmem>>) semaphore(%arg14 : memref<!tpu.dma_semaphore, #tpu.memory_space<semaphore_mem>>)
        %dma_wait3A = tpu.memref_slice %arg8[%mul3A_339] : memref<4160xi32, #tpu.memory_space<vmem>> -> memref<32xi32, #tpu.memory_space<vmem>>
        %dma_wait3A_343 = arith.constant 0 : i32
        %dma_wait3A_344 = arith.constant 0 : i32
        %dma_wait3A_345 = tpu.memref_slice %arg3[%dma_wait3A_343, %dma_wait3A_344] : memref<4096x128xf32, #tpu.memory_space<hbm>> -> memref<4096x128xf32, #tpu.memory_space<hbm>>
        tpu.wait_indirect_dma semaphore(%arg14 : memref<!tpu.dma_semaphore, #tpu.memory_space<semaphore_mem>>) src(%dma_wait3A_345 : memref<4096x128xf32, #tpu.memory_space<hbm>>) dst(%arg12 : memref<32x128xf32, #tpu.memory_space<vmem>>)
        %mul3A_346 = arith.constant 32 : i32
        %mul3A_347 = arith.muli %while3A_329, %mul3A_346 : i32
        %sub3A_348 = arith.subi %reduce_max3A_27, %mul3A_347 : i32
        %min3A = arith.constant 32 : i32
        %min3A_349 = arith.minsi %sub3A_348, %min3A : i32
        %while3A_350 = arith.constant 0 : i32
        %while3A_351 = arith.subi %min3A_349, %while3A_350 : i32
        %while3A_352 = arith.addi %while3A_350, %while3A_351 : i32
        %while3A_353 = arith.constant 1 : i32
        %while3A_354 = arith.divsi %while3A_351, %while3A_353 : i32
        %while3A_355 = arith.muli %while3A_354, %while3A_353 : i32
        %while3A_356 = arith.addi %while3A_350, %while3A_355 : i32
        %while3A_357 = arith.constant 1 : i32
        %while3A_358:8 = scf.for %while3A_361 = %while3A_350 to %while3A_356 step %while3A_357 iter_args(%while3A_362 = %while3A_330, %while3A_363 = %while3A_331, %while3A_364 = %while3A_332, %while3A_365 = %while3A_333, %while3A_366 = %while3A_334, %while3A_367 = %while3A_335, %while3A_368 = %while3A_336, %while3A_369 = %while3A_337) -> (vector<16xf32>, vector<16xf32>, vector<16xf32>, vector<16xf32>, vector<16xf32>, vector<16xf32>, vector<16xf32>, vector<16xf32>)  : i32 {
          %broadcast_in_dim3A_370 = arith.constant 0 : i32
          %broadcast_in_dim3A_371 = vector.broadcast %broadcast_in_dim3A_370 : i32 to vector<16xi32>
          %mul3A_372 = arith.constant 32 : i32
          %mul3A_373 = arith.muli %while3A_329, %mul3A_372 : i32
          %add3A_374 = arith.addi %mul3A_373, %while3A_361 : i32
          %broadcast_in_dim3A_375 = vector.broadcast %add3A_374 : i32 to vector<16xi32>
          %gather3A_376 = tpu.vector_load_idx %arg11[%broadcast_in_dim3A_371, %broadcast_in_dim3A_375] : memref<4x4096xf32, #tpu.memory_space<vmem>>[vector<16xi32>, vector<16xi32>], vector<16xf32>,
          %broadcast_in_dim3A_377 = arith.constant 1 : i32
          %broadcast_in_dim3A_378 = vector.broadcast %broadcast_in_dim3A_377 : i32 to vector<16xi32>
          %mul3A_379 = arith.constant 32 : i32
          %mul3A_380 = arith.muli %while3A_329, %mul3A_379 : i32
          %add3A_381 = arith.addi %mul3A_380, %while3A_361 : i32
          %broadcast_in_dim3A_382 = vector.broadcast %add3A_381 : i32 to vector<16xi32>
          %gather3A_383 = tpu.vector_load_idx %arg11[%broadcast_in_dim3A_378, %broadcast_in_dim3A_382] : memref<4x4096xf32, #tpu.memory_space<vmem>>[vector<16xi32>, vector<16xi32>], vector<16xf32>,
          %broadcast_in_dim3A_384 = arith.constant 2 : i32
          %broadcast_in_dim3A_385 = vector.broadcast %broadcast_in_dim3A_384 : i32 to vector<16xi32>
          %mul3A_386 = arith.constant 32 : i32
          %mul3A_387 = arith.muli %while3A_329, %mul3A_386 : i32
          %add3A_388 = arith.addi %mul3A_387, %while3A_361 : i32
          %broadcast_in_dim3A_389 = vector.broadcast %add3A_388 : i32 to vector<16xi32>
          %gather3A_390 = tpu.vector_load_idx %arg11[%broadcast_in_dim3A_385, %broadcast_in_dim3A_389] : memref<4x4096xf32, #tpu.memory_space<vmem>>[vector<16xi32>, vector<16xi32>], vector<16xf32>,
          %broadcast_in_dim3A_391 = arith.constant 3 : i32
          %broadcast_in_dim3A_392 = vector.broadcast %broadcast_in_dim3A_391 : i32 to vector<16xi32>
          %mul3A_393 = arith.constant 32 : i32
          %mul3A_394 = arith.muli %while3A_329, %mul3A_393 : i32
          %add3A_395 = arith.addi %mul3A_394, %while3A_361 : i32
          %broadcast_in_dim3A_396 = vector.broadcast %add3A_395 : i32 to vector<16xi32>
          %gather3A_397 = tpu.vector_load_idx %arg11[%broadcast_in_dim3A_392, %broadcast_in_dim3A_396] : memref<4x4096xf32, #tpu.memory_space<vmem>>[vector<16xi32>, vector<16xi32>], vector<16xf32>,
          %get3A = arith.index_cast %while3A_361 : i32 to index
          %get3A_398 = arith.constant 0 : index
          %get3A_399 = tpu.vector_load %arg12[%get3A, %get3A_398] {strides = array<i32>} : memref<32x128xf32, #tpu.memory_space<vmem>>, vector<16xf32>,
          %mul3A_400 = arith.mulf %gather3A_376, %get3A_399 : vector<16xf32>
          %add3A_401 = arith.addf %while3A_362, %mul3A_400 : vector<16xf32>
          %get3A_402 = arith.index_cast %while3A_361 : i32 to index
          %get3A_403 = arith.constant 16 : index
          %get3A_404 = tpu.vector_load %arg12[%get3A_402, %get3A_403] {strides = array<i32>} : memref<32x128xf32, #tpu.memory_space<vmem>>, vector<16xf32>,
          %mul3A_405 = arith.mulf %gather3A_376, %get3A_404 : vector<16xf32>
          %add3A_406 = arith.addf %while3A_363, %mul3A_405 : vector<16xf32>
          %get3A_407 = arith.index_cast %while3A_361 : i32 to index
          %get3A_408 = arith.constant 32 : index
          %get3A_409 = tpu.vector_load %arg12[%get3A_407, %get3A_408] {strides = array<i32>} : memref<32x128xf32, #tpu.memory_space<vmem>>, vector<16xf32>,
          %mul3A_410 = arith.mulf %gather3A_383, %get3A_409 : vector<16xf32>
          %add3A_411 = arith.addf %while3A_364, %mul3A_410 : vector<16xf32>
          %get3A_412 = arith.index_cast %while3A_361 : i32 to index
          %get3A_413 = arith.constant 48 : index
          %get3A_414 = tpu.vector_load %arg12[%get3A_412, %get3A_413] {strides = array<i32>} : memref<32x128xf32, #tpu.memory_space<vmem>>, vector<16xf32>,
          %mul3A_415 = arith.mulf %gather3A_383, %get3A_414 : vector<16xf32>
          %add3A_416 = arith.addf %while3A_365, %mul3A_415 : vector<16xf32>
          %get3A_417 = arith.index_cast %while3A_361 : i32 to index
          %get3A_418 = arith.constant 64 : index
          %get3A_419 = tpu.vector_load %arg12[%get3A_417, %get3A_418] {strides = array<i32>} : memref<32x128xf32, #tpu.memory_space<vmem>>, vector<16xf32>,
          %mul3A_420 = arith.mulf %gather3A_390, %get3A_419 : vector<16xf32>
          %add3A_421 = arith.addf %while3A_366, %mul3A_420 : vector<16xf32>
          %get3A_422 = arith.index_cast %while3A_361 : i32 to index
          %get3A_423 = arith.constant 80 : index
          %get3A_424 = tpu.vector_load %arg12[%get3A_422, %get3A_423] {strides = array<i32>} : memref<32x128xf32, #tpu.memory_space<vmem>>, vector<16xf32>,
          %mul3A_425 = arith.mulf %gather3A_390, %get3A_424 : vector<16xf32>
          %add3A_426 = arith.addf %while3A_367, %mul3A_425 : vector<16xf32>
          %get3A_427 = arith.index_cast %while3A_361 : i32 to index
          %get3A_428 = arith.constant 96 : index
          %get3A_429 = tpu.vector_load %arg12[%get3A_427, %get3A_428] {strides = array<i32>} : memref<32x128xf32, #tpu.memory_space<vmem>>, vector<16xf32>,
          %mul3A_430 = arith.mulf %gather3A_397, %get3A_429 : vector<16xf32>
          %add3A_431 = arith.addf %while3A_368, %mul3A_430 : vector<16xf32>
          %get3A_432 = arith.index_cast %while3A_361 : i32 to index
          %get3A_433 = arith.constant 112 : index
          %get3A_434 = tpu.vector_load %arg12[%get3A_432, %get3A_433] {strides = array<i32>} : memref<32x128xf32, #tpu.memory_space<vmem>>, vector<16xf32>,
          %mul3A_435 = arith.mulf %gather3A_397, %get3A_434 : vector<16xf32>
          %add3A_436 = arith.addf %while3A_369, %mul3A_435 : vector<16xf32>
          scf.yield %add3A_401, %add3A_406, %add3A_411, %add3A_416, %add3A_421, %add3A_426, %add3A_431, %add3A_436 : vector<16xf32>, vector<16xf32>, vector<16xf32>, vector<16xf32>, vector<16xf32>, vector<16xf32>, vector<16xf32>, vector<16xf32>
        }
        %while3A_359 = arith.constant 1 : i32
        %while3A_360:8 = scf.for %while3A_361 = %while3A_356 to %while3A_352 step %while3A_359 iter_args(%while3A_362 = %while3A_358#0, %while3A_363 = %while3A_358#1, %while3A_364 = %while3A_358#2, %while3A_365 = %while3A_358#3, %while3A_366 = %while3A_358#4, %while3A_367 = %while3A_358#5, %while3A_368 = %while3A_358#6, %while3A_369 = %while3A_358#7) -> (vector<16xf32>, vector<16xf32>, vector<16xf32>, vector<16xf32>, vector<16xf32>, vector<16xf32>, vector<16xf32>, vector<16xf32>)  : i32 {
          %broadcast_in_dim3A_370 = arith.constant 0 : i32
          %broadcast_in_dim3A_371 = vector.broadcast %broadcast_in_dim3A_370 : i32 to vector<16xi32>
          %mul3A_372 = arith.constant 32 : i32
          %mul3A_373 = arith.muli %while3A_329, %mul3A_372 : i32
          %add3A_374 = arith.addi %mul3A_373, %while3A_361 : i32
          %broadcast_in_dim3A_375 = vector.broadcast %add3A_374 : i32 to vector<16xi32>
          %gather3A_376 = tpu.vector_load_idx %arg11[%broadcast_in_dim3A_371, %broadcast_in_dim3A_375] : memref<4x4096xf32, #tpu.memory_space<vmem>>[vector<16xi32>, vector<16xi32>], vector<16xf32>,
          %broadcast_in_dim3A_377 = arith.constant 1 : i32
          %broadcast_in_dim3A_378 = vector.broadcast %broadcast_in_dim3A_377 : i32 to vector<16xi32>
          %mul3A_379 = arith.constant 32 : i32
          %mul3A_380 = arith.muli %while3A_329, %mul3A_379 : i32
          %add3A_381 = arith.addi %mul3A_380, %while3A_361 : i32
          %broadcast_in_dim3A_382 = vector.broadcast %add3A_381 : i32 to vector<16xi32>
          %gather3A_383 = tpu.vector_load_idx %arg11[%broadcast_in_dim3A_378, %broadcast_in_dim3A_382] : memref<4x4096xf32, #tpu.memory_space<vmem>>[vector<16xi32>, vector<16xi32>], vector<16xf32>,
          %broadcast_in_dim3A_384 = arith.constant 2 : i32
          %broadcast_in_dim3A_385 = vector.broadcast %broadcast_in_dim3A_384 : i32 to vector<16xi32>
          %mul3A_386 = arith.constant 32 : i32
          %mul3A_387 = arith.muli %while3A_329, %mul3A_386 : i32
          %add3A_388 = arith.addi %mul3A_387, %while3A_361 : i32
          %broadcast_in_dim3A_389 = vector.broadcast %add3A_388 : i32 to vector<16xi32>
          %gather3A_390 = tpu.vector_load_idx %arg11[%broadcast_in_dim3A_385, %broadcast_in_dim3A_389] : memref<4x4096xf32, #tpu.memory_space<vmem>>[vector<16xi32>, vector<16xi32>], vector<16xf32>,
          %broadcast_in_dim3A_391 = arith.constant 3 : i32
          %broadcast_in_dim3A_392 = vector.broadcast %broadcast_in_dim3A_391 : i32 to vector<16xi32>
          %mul3A_393 = arith.constant 32 : i32
          %mul3A_394 = arith.muli %while3A_329, %mul3A_393 : i32
          %add3A_395 = arith.addi %mul3A_394, %while3A_361 : i32
          %broadcast_in_dim3A_396 = vector.broadcast %add3A_395 : i32 to vector<16xi32>
          %gather3A_397 = tpu.vector_load_idx %arg11[%broadcast_in_dim3A_392, %broadcast_in_dim3A_396] : memref<4x4096xf32, #tpu.memory_space<vmem>>[vector<16xi32>, vector<16xi32>], vector<16xf32>,
          %get3A = arith.index_cast %while3A_361 : i32 to index
          %get3A_398 = arith.constant 0 : index
          %get3A_399 = tpu.vector_load %arg12[%get3A, %get3A_398] {strides = array<i32>} : memref<32x128xf32, #tpu.memory_space<vmem>>, vector<16xf32>,
          %mul3A_400 = arith.mulf %gather3A_376, %get3A_399 : vector<16xf32>
          %add3A_401 = arith.addf %while3A_362, %mul3A_400 : vector<16xf32>
          %get3A_402 = arith.index_cast %while3A_361 : i32 to index
          %get3A_403 = arith.constant 16 : index
          %get3A_404 = tpu.vector_load %arg12[%get3A_402, %get3A_403] {strides = array<i32>} : memref<32x128xf32, #tpu.memory_space<vmem>>, vector<16xf32>,
          %mul3A_405 = arith.mulf %gather3A_376, %get3A_404 : vector<16xf32>
          %add3A_406 = arith.addf %while3A_363, %mul3A_405 : vector<16xf32>
          %get3A_407 = arith.index_cast %while3A_361 : i32 to index
          %get3A_408 = arith.constant 32 : index
          %get3A_409 = tpu.vector_load %arg12[%get3A_407, %get3A_408] {strides = array<i32>} : memref<32x128xf32, #tpu.memory_space<vmem>>, vector<16xf32>,
          %mul3A_410 = arith.mulf %gather3A_383, %get3A_409 : vector<16xf32>
          %add3A_411 = arith.addf %while3A_364, %mul3A_410 : vector<16xf32>
          %get3A_412 = arith.index_cast %while3A_361 : i32 to index
          %get3A_413 = arith.constant 48 : index
          %get3A_414 = tpu.vector_load %arg12[%get3A_412, %get3A_413] {strides = array<i32>} : memref<32x128xf32, #tpu.memory_space<vmem>>, vector<16xf32>,
          %mul3A_415 = arith.mulf %gather3A_383, %get3A_414 : vector<16xf32>
          %add3A_416 = arith.addf %while3A_365, %mul3A_415 : vector<16xf32>
          %get3A_417 = arith.index_cast %while3A_361 : i32 to index
          %get3A_418 = arith.constant 64 : index
          %get3A_419 = tpu.vector_load %arg12[%get3A_417, %get3A_418] {strides = array<i32>} : memref<32x128xf32, #tpu.memory_space<vmem>>, vector<16xf32>,
          %mul3A_420 = arith.mulf %gather3A_390, %get3A_419 : vector<16xf32>
          %add3A_421 = arith.addf %while3A_366, %mul3A_420 : vector<16xf32>
          %get3A_422 = arith.index_cast %while3A_361 : i32 to index
          %get3A_423 = arith.constant 80 : index
          %get3A_424 = tpu.vector_load %arg12[%get3A_422, %get3A_423] {strides = array<i32>} : memref<32x128xf32, #tpu.memory_space<vmem>>, vector<16xf32>,
          %mul3A_425 = arith.mulf %gather3A_390, %get3A_424 : vector<16xf32>
          %add3A_426 = arith.addf %while3A_367, %mul3A_425 : vector<16xf32>
          %get3A_427 = arith.index_cast %while3A_361 : i32 to index
          %get3A_428 = arith.constant 96 : index
          %get3A_429 = tpu.vector_load %arg12[%get3A_427, %get3A_428] {strides = array<i32>} : memref<32x128xf32, #tpu.memory_space<vmem>>, vector<16xf32>,
          %mul3A_430 = arith.mulf %gather3A_397, %get3A_429 : vector<16xf32>
          %add3A_431 = arith.addf %while3A_368, %mul3A_430 : vector<16xf32>
          %get3A_432 = arith.index_cast %while3A_361 : i32 to index
          %get3A_433 = arith.constant 112 : index
          %get3A_434 = tpu.vector_load %arg12[%get3A_432, %get3A_433] {strides = array<i32>} : memref<32x128xf32, #tpu.memory_space<vmem>>, vector<16xf32>,
          %mul3A_435 = arith.mulf %gather3A_397, %get3A_434 : vector<16xf32>
          %add3A_436 = arith.addf %while3A_369, %mul3A_435 : vector<16xf32>
          scf.yield %add3A_401, %add3A_406, %add3A_411, %add3A_416, %add3A_421, %add3A_426, %add3A_431, %add3A_436 : vector<16xf32>, vector<16xf32>, vector<16xf32>, vector<16xf32>, vector<16xf32>, vector<16xf32>, vector<16xf32>, vector<16xf32>
        }
        scf.yield %while3A_360#0, %while3A_360#1, %while3A_360#2, %while3A_360#3, %while3A_360#4, %while3A_360#5, %while3A_360#6, %while3A_360#7 : vector<16xf32>, vector<16xf32>, vector<16xf32>, vector<16xf32>, vector<16xf32>, vector<16xf32>, vector<16xf32>, vector<16xf32>
      }
      %mul3A_305 = arith.mulf %while3A_304#0, %div3A_95 : vector<16xf32>
      %swap3A = arith.constant 0 : index
      %swap3A_306 = tpu.vector_load %arg13[%swap3A] {strides = array<i32>} : memref<128xf32, #tpu.memory_space<vmem>>, vector<16xf32>,
      tpu.vector_store %arg13[%swap3A], %mul3A_305 {strides = array<i32>} : memref<128xf32, #tpu.memory_space<vmem>>, vector<16xf32>,
      %mul3A_307 = arith.mulf %while3A_304#1, %div3A_95 : vector<16xf32>
      %swap3A_308 = arith.constant 16 : index
      %swap3A_309 = tpu.vector_load %arg13[%swap3A_308] {strides = array<i32>} : memref<128xf32, #tpu.memory_space<vmem>>, vector<16xf32>,
      tpu.vector_store %arg13[%swap3A_308], %mul3A_307 {strides = array<i32>} : memref<128xf32, #tpu.memory_space<vmem>>, vector<16xf32>,
      %mul3A_310 = arith.mulf %while3A_304#2, %div3A_154 : vector<16xf32>
      %swap3A_311 = arith.constant 32 : index
      %swap3A_312 = tpu.vector_load %arg13[%swap3A_311] {strides = array<i32>} : memref<128xf32, #tpu.memory_space<vmem>>, vector<16xf32>,
      tpu.vector_store %arg13[%swap3A_311], %mul3A_310 {strides = array<i32>} : memref<128xf32, #tpu.memory_space<vmem>>, vector<16xf32>,
      %mul3A_313 = arith.mulf %while3A_304#3, %div3A_154 : vector<16xf32>
      %swap3A_314 = arith.constant 48 : index
      %swap3A_315 = tpu.vector_load %arg13[%swap3A_314] {strides = array<i32>} : memref<128xf32, #tpu.memory_space<vmem>>, vector<16xf32>,
      tpu.vector_store %arg13[%swap3A_314], %mul3A_313 {strides = array<i32>} : memref<128xf32, #tpu.memory_space<vmem>>, vector<16xf32>,
      %mul3A_316 = arith.mulf %while3A_304#4, %div3A_213 : vector<16xf32>
      %swap3A_317 = arith.constant 64 : index
      %swap3A_318 = tpu.vector_load %arg13[%swap3A_317] {strides = array<i32>} : memref<128xf32, #tpu.memory_space<vmem>>, vector<16xf32>,
      tpu.vector_store %arg13[%swap3A_317], %mul3A_316 {strides = array<i32>} : memref<128xf32, #tpu.memory_space<vmem>>, vector<16xf32>,
      %mul3A_319 = arith.mulf %while3A_304#5, %div3A_213 : vector<16xf32>
      %swap3A_320 = arith.constant 80 : index
      %swap3A_321 = tpu.vector_load %arg13[%swap3A_320] {strides = array<i32>} : memref<128xf32, #tpu.memory_space<vmem>>, vector<16xf32>,
      tpu.vector_store %arg13[%swap3A_320], %mul3A_319 {strides = array<i32>} : memref<128xf32, #tpu.memory_space<vmem>>, vector<16xf32>,
      %mul3A_322 = arith.mulf %while3A_304#6, %div3A_272 : vector<16xf32>
      %swap3A_323 = arith.constant 96 : index
      %swap3A_324 = tpu.vector_load %arg13[%swap3A_323] {strides = array<i32>} : memref<128xf32, #tpu.memory_space<vmem>>, vector<16xf32>,
      tpu.vector_store %arg13[%swap3A_323], %mul3A_322 {strides = array<i32>} : memref<128xf32, #tpu.memory_space<vmem>>, vector<16xf32>,
      %mul3A_325 = arith.mulf %while3A_304#7, %div3A_272 : vector<16xf32>
      %swap3A_326 = arith.constant 112 : index
      %swap3A_327 = tpu.vector_load %arg13[%swap3A_326] {strides = array<i32>} : memref<128xf32, #tpu.memory_space<vmem>>, vector<16xf32>,
      tpu.vector_store %arg13[%swap3A_326], %mul3A_325 {strides = array<i32>} : memref<128xf32, #tpu.memory_space<vmem>>, vector<16xf32>,
      "tpu.region"() ({
        %run_scoped3A = tpu.sem_alloc : memref<!tpu.dma_semaphore, #tpu.memory_space<semaphore_mem>>
        %dma_start3A = arith.constant 0 : i32
        %dma_start3A_329 = tpu.memref_slice %arg6[%add3A_13, %dma_start3A] : memref<4096x128xf32, #tpu.memory_space<hbm>> -> memref<1x128xf32, #tpu.memory_space<hbm>>
        %dma_start3A_330 = tpu.memref_squeeze %dma_start3A_329 : memref<1x128xf32, #tpu.memory_space<hbm>> -> memref<128xf32, #tpu.memory_space<hbm>>
        %dma_start3A_331 = arith.constant 0 : i32
        %dma_start3A_332 = tpu.memref_slice %arg6[%add3A_13, %dma_start3A_331] : memref<4096x128xf32, #tpu.memory_space<hbm>> -> memref<1x128xf32, #tpu.memory_space<hbm>>
        %dma_start3A_333 = tpu.memref_squeeze %dma_start3A_332 : memref<1x128xf32, #tpu.memory_space<hbm>> -> memref<128xf32, #tpu.memory_space<hbm>>
        tpu.enqueue_dma source(%arg13 : memref<128xf32, #tpu.memory_space<vmem>>) target(%dma_start3A_333 : memref<128xf32, #tpu.memory_space<hbm>>) target_semaphore(%run_scoped3A : memref<!tpu.dma_semaphore, #tpu.memory_space<semaphore_mem>>)
        %dma_wait3A = arith.constant 0 : i32
        %dma_wait3A_334 = tpu.memref_slice %arg6[%add3A_13, %dma_wait3A] : memref<4096x128xf32, #tpu.memory_space<hbm>> -> memref<1x128xf32, #tpu.memory_space<hbm>>
        %dma_wait3A_335 = tpu.memref_squeeze %dma_wait3A_334 : memref<1x128xf32, #tpu.memory_space<hbm>> -> memref<128xf32, #tpu.memory_space<hbm>>
        %dma_wait3A_336 = arith.constant 0 : i32
        %dma_wait3A_337 = tpu.memref_slice %arg6[%add3A_13, %dma_wait3A_336] : memref<4096x128xf32, #tpu.memory_space<hbm>> -> memref<1x128xf32, #tpu.memory_space<hbm>>
        %dma_wait3A_338 = tpu.memref_squeeze %dma_wait3A_337 : memref<1x128xf32, #tpu.memory_space<hbm>> -> memref<128xf32, #tpu.memory_space<hbm>>
        tpu.wait_dma2 semaphore(%run_scoped3A : memref<!tpu.dma_semaphore, #tpu.memory_space<semaphore_mem>>) src(%arg13 : memref<128xf32, #tpu.memory_space<vmem>>) dst(%dma_wait3A_338 : memref<128xf32, #tpu.memory_space<hbm>>)
        tpu.yield
      }) : () -> ()
      %scan3A_328 = arith.constant 0 : i32
      scf.yield %scan3A_328 : i32
    }
    %scan3A_8 = arith.constant 128 : i32
    return
  }
}

module attributes {stable_mosaic.version = 14 : i64} {
  func.func @_proj_body(%arg0: memref<4096x128xf32, #tpu.memory_space<vmem>>, %arg1: memref<128x128xf32, #tpu.memory_space<vmem>>, %arg2: memref<128x4xf32, #tpu.memory_space<vmem>>, %arg3: memref<128x4xf32, #tpu.memory_space<vmem>>, %arg4: memref<4096x128xf32, #tpu.memory_space<vmem>>, %arg5: memref<4096x4xf32, #tpu.memory_space<vmem>>, %arg6: memref<4x4096xf32, #tpu.memory_space<vmem>>) attributes {dimension_semantics = [], scalar_prefetch = 0 : i64, scratch_operands = 0 : i64, tpu.core_type = #tpu.core_type<tc>} {
    %get3A = arith.constant 0 : index
    %get3A_0 = arith.constant 0 : index
    %get3A_1 = vector.load %arg0[%get3A, %get3A_0] : memref<4096x128xf32, #tpu.memory_space<vmem>>, vector<4096x128xf32>
    %get3A_2 = arith.constant 0 : index
    %get3A_3 = arith.constant 0 : index
    %get3A_4 = vector.load %arg1[%get3A_2, %get3A_3] : memref<128x128xf32, #tpu.memory_space<vmem>>, vector<128x128xf32>
    %dot_general3A = arith.constant dense<0.000000e+00> : vector<4096x128xf32>
    %dot_general3A_5 = tpu.matmul %get3A_1, %get3A_4, %dot_general3A {dimension_numbers = #tpu.dot_dimension_numbers<[1], [0], [0], [1], [0, 0, 1, 1], [], []>, transpose_lhs_hint = false} : vector<4096x128xf32>, vector<128x128xf32>, vector<4096x128xf32> -> vector<4096x128xf32>
    %swap3A = arith.constant 0 : index
    %swap3A_6 = arith.constant 0 : index
    %swap3A_7 = vector.load %arg4[%swap3A, %swap3A_6] : memref<4096x128xf32, #tpu.memory_space<vmem>>, vector<4096x128xf32>
    tpu.vector_store %arg4[%swap3A, %swap3A_6], %dot_general3A_5 {strides = array<i32>} : memref<4096x128xf32, #tpu.memory_space<vmem>>, vector<4096x128xf32>,
    %get3A_8 = arith.constant 0 : index
    %get3A_9 = arith.constant 0 : index
    %get3A_10 = vector.load %arg2[%get3A_8, %get3A_9] : memref<128x4xf32, #tpu.memory_space<vmem>>, vector<128x4xf32>
    %dot_general3A_11 = arith.constant dense<0.000000e+00> : vector<4096x4xf32>
    %dot_general3A_12 = tpu.matmul %dot_general3A_5, %get3A_10, %dot_general3A_11 {dimension_numbers = #tpu.dot_dimension_numbers<[1], [0], [0], [1], [0, 0, 1, 1], [], []>, transpose_lhs_hint = false} : vector<4096x128xf32>, vector<128x4xf32>, vector<4096x4xf32> -> vector<4096x4xf32>
    %swap3A_13 = arith.constant 0 : index
    %swap3A_14 = arith.constant 0 : index
    %swap3A_15 = vector.load %arg5[%swap3A_13, %swap3A_14] : memref<4096x4xf32, #tpu.memory_space<vmem>>, vector<4096x4xf32>
    tpu.vector_store %arg5[%swap3A_13, %swap3A_14], %dot_general3A_12 {strides = array<i32>} : memref<4096x4xf32, #tpu.memory_space<vmem>>, vector<4096x4xf32>,
    %get3A_16 = arith.constant 0 : index
    %get3A_17 = arith.constant 0 : index
    %get3A_18 = vector.load %arg3[%get3A_16, %get3A_17] : memref<128x4xf32, #tpu.memory_space<vmem>>, vector<128x4xf32>
    %dot_general3A_19 = arith.constant dense<0.000000e+00> : vector<4x4096xf32>
    %dot_general3A_20 = tpu.matmul %get3A_18, %dot_general3A_5, %dot_general3A_19 {dimension_numbers = #tpu.dot_dimension_numbers<[0], [1], [1], [0], [0, 1, 1, 0], [], []>, transpose_lhs_hint = false} : vector<128x4xf32>, vector<4096x128xf32>, vector<4x4096xf32> -> vector<4x4096xf32>
    %swap3A_21 = arith.constant 0 : index
    %swap3A_22 = arith.constant 0 : index
    %swap3A_23 = vector.load %arg6[%swap3A_21, %swap3A_22] : memref<4x4096xf32, #tpu.memory_space<vmem>>, vector<4x4096xf32>
    tpu.vector_store %arg6[%swap3A_21, %swap3A_22], %dot_general3A_20 {strides = array<i32>} : memref<4x4096xf32, #tpu.memory_space<vmem>>, vector<4x4096xf32>,
    return
  }
}

</mosaic_0001>

<sc_bundles>
// kernel: kernel.4.cloned.1.call-start
scs
__scs_entry_jumppad:
0x0: {  	(pc) =	sbr.rel $0x88, $3  }
0x1: {  	(tag) =	ssettag $0x0;
	lr =	simm.s32 $0x1  }
0x2: {  	[smem:$0x3F9C] =	sst lr;
	_ =	strace $0xD0000000  }
0x3: {  	_ = 	snop  }
0x4: {  	_ = 	snop  }
0x5: {  	_ = 	snop  }
0x6: {  	_ = 	snop  }
0x7: {  	_ = 	snop  }
__scs_overlays_trampoline_lowered:
0x8: {  	[smem:$0x3FAB] =	sst s0  }
0x9: {  	[smem:$0x3FAC] =	sst s1  }
0xa: {  	[smem:$0x3FAD] =	sst s2  }
0xb: {  	[smem:$0x3FAE] =	sst s3  }
0xc: {  	[smem:$0x3FAF] =	sst s4  }
0xd: {  	[smem:$0x3FB0] =	sst s5  }
0xe: {  	[smem:$0x3FB1] =	sst s6  }
0xf: {  	[smem:$0x3FB2] =	sst s7  }
0x10: {  	[smem:$0x3FB3] =	sst s8  }
0x11: {  	[smem:$0x3FB4] =	sst s9;
	s0 =	simm.s32 @!p0 $0x0  }
0x12: {  	s1 =	sld [smem:$0x3F9A];
	s0 =	simm.s32 @p0 $0x1  }
0x13: {  	[smem:$0x3FB5] =	sst s0;
	s0 =	simm.s32 @!p1 $0x0  }
0x14: {  	s2 =	sld [smem:$0x3F99];
	s0 =	simm.s32 @p1 $0x1  }
0x15: {  	[smem:$0x3FB6] =	sst s0;
	s0 =	simm.s32 @!p2 $0x0  }
0x16: {  	s3 =	sld [smem:$0x3FDB];
	s0 =	simm.s32 @p2 $0x1  }
0x17: {  	s4 =	simm.s32 $0x1BF5;
	[smem:$0x3FB8] =	sst s0  }
0x18: {  	s0 =	sld [smem:$0x3F9B];
	_ =	swait.ge [sflag:s4], $0x0  }
0x19: {  	s7 =	sld [smem:$0x3F9C]  }
0x1a: {  	s8 =	sadd.s32 $0xFFFFE003, lr  }
0x1b: {  	s9 =	sadd.s32 $0xFFFFFEF7, lr;
	s5 =	simm.s32 $0xFFFFFFFF;
	p2 =	slt.u32 s8, $0xFFFFF086  }
0x1c: {  	p1 =	slt.u32 s9, $0xF7A;
	s5 =	simm.s32 @!p2 $0x0  }
0x1d: {  	s5 =	simm.s32 @p1 $0x1;
	p0 =	seq.s32 s7, s2  }
0x1e: {  	s7 =	smul.u32 @!p0 $0xF7A, s2;
	p2 =	seq.s32 @!p0 s5, $0x0  }
0x1f: {  	s9 =	smul.u32 $0xF7A, s1;
	s8 =	simm.s32 @!p0 $0x1BF5;
	p2 =	por !p2, p0  }
0x20: {  	[sflag:s8] =	ssyncset.s32 @!p0 $0xFFFFF086;
	s6 =	sadd.s32 @!p0 s3, s7;
	s7 =	simm.s32 @!p0 $0x108  }
0x21: {  	s3 =	sadd.s32 s3, s9;
	s6 =	sadd.s32 @!p0 $0x88, s6;
	s7 =	simm.s32 @p2 $0x1082  }
0x22: {  	[simem:s7], [sflag:s8] =	dma.local @!p0 [hbm:s6], $0xF7A  }
0x23: {  	s9 =	sor.u32 $0xD0000000, s2;
	s6 =	simm.s32 $0x108;
	_ =	swait.ge @!p0 [sflag:s8], $0x0  }
0x24: {  	s3 =	sadd.s32 $0x88, s3;
	s6 =	simm.s32 @!p1 $0x1082;
	[sflag:s4] =	ssyncset.s32 $0xFFFFF086  }
0x25: {  	[simem:s6], [sflag:s4] =	dma.local [hbm:s3], $0xF7A  }
0x26: {  	[smem:$0x3F9C] =	sst s1;
	(tag) =	ssettag s2;
	_ =	strace s9  }
0x27: {  	s1 =	sld [smem:$0x3FAC]  }
0x28: {  	s2 =	sld [smem:$0x3FAD]  }
0x29: {  	s4 =	sld [smem:$0x3FAF]  }
0x2a: {  	p0 =	seq.s32 s5, $0x0;
	s5 =	sld [smem:$0x3FB0]  }
0x2b: {  	s6 =	sld [smem:$0x3FB1]  }
0x2c: {  	s7 =	sld [smem:$0x3FB2]  }
0x2d: {  	s3 =	simm.s32 $0x108;
	s8 =	sld [smem:$0x3FB3]  }
0x2e: {  	s3 =	simm.s32 @!p0 $0x1082;
	s9 =	sld [smem:$0x3FB4]  }
0x2f: {  	lr =	sadd.s32 s0, s3;
	s0 =	sld [smem:$0x3FAB]  }
0x30: {  	s3 =	sld [smem:$0x3FAE]  }
0x31: {  	[smem:$0x3FB7] =	sst s10  }
0x32: {  	s10 =	sld [smem:$0x3FB5];
	_ =	sdelay $0x3  }
0x33: {  	p0 =	seq.s32 s10, $0x1;
	s10 =	sld [smem:$0x3FB7];
	_ =	sdelay $0x3  }
0x34: {  	[smem:$0x3FB7] =	sst s10  }
0x35: {  	s10 =	sld [smem:$0x3FB6];
	_ =	sdelay $0x3  }
0x36: {  	p1 =	seq.s32 s10, $0x1;
	s10 =	sld [smem:$0x3FB7];
	_ =	sdelay $0x3  }
0x37: {  	[smem:$0x3FB7] =	sst s10  }
0x38: {  	s10 =	sld [smem:$0x3FB8]  }
0x39: {  	_ = 	snop;
	(pc) =	sbr.ind lr, $3  }
0x3a: {  	_ = 	snop  }
0x3b: {  	_ = 	snop  }
0x3c: {  	p2 =	seq.s32 s10, $0x1;
	s10 =	sld [smem:$0x3FB7]  }
0x3d: {  	_ =	shalt  }
0x3e: {  	_ =	shalt  }
0x3f: {  	_ =	shalt  }
0x40: {  	_ =	shalt  }
0x41: {  	_ =	shalt  }
0x42: {  	_ =	shalt  }
0x43: {  	_ =	shalt  }
0x44: {  	_ =	shalt  }
0x45: {  	_ =	shalt  }
0x46: {  	_ =	shalt  }
0x47: {  	_ =	shalt  }
0x48: {  	_ =	shalt  }
0x49: {  	_ =	shalt  }
0x4a: {  	_ =	shalt  }
0x4b: {  	_ =	shalt  }
0x4c: {  	_ =	shalt  }
0x4d: {  	_ =	shalt  }
0x4e: {  	_ =	shalt  }
0x4f: {  	_ =	shalt  }
0x50: {  	_ =	shalt  }
0x51: {  	_ =	shalt  }
0x52: {  	_ =	shalt  }
0x53: {  	_ =	shalt  }
0x54: {  	_ =	shalt  }
0x55: {  	_ =	shalt  }
0x56: {  	_ =	shalt  }
0x57: {  	_ =	shalt  }
0x58: {  	_ =	shalt  }
0x59: {  	_ =	shalt  }
0x5a: {  	_ =	shalt  }
0x5b: {  	_ =	shalt  }
0x5c: {  	_ =	shalt  }
0x5d: {  	_ =	shalt  }
0x5e: {  	_ =	shalt  }
0x5f: {  	_ =	shalt  }
0x60: {  	_ =	shalt  }
0x61: {  	_ =	shalt  }
0x62: {  	_ =	shalt  }
0x63: {  	_ =	shalt  }
0x64: {  	_ =	shalt  }
0x65: {  	_ =	shalt  }
0x66: {  	_ =	shalt  }
0x67: {  	_ =	shalt  }
0x68: {  	_ =	shalt  }
0x69: {  	_ =	shalt  }
0x6a: {  	_ =	shalt  }
0x6b: {  	_ =	shalt  }
0x6c: {  	_ =	shalt  }
0x6d: {  	_ =	shalt  }
0x6e: {  	_ =	shalt  }
0x6f: {  	_ =	shalt  }
0x70: {  	_ =	shalt  }
0x71: {  	_ =	shalt  }
0x72: {  	_ =	shalt  }
0x73: {  	_ =	shalt  }
0x74: {  	_ =	shalt  }
0x75: {  	_ =	shalt  }
0x76: {  	_ =	shalt  }
0x77: {  	_ =	shalt  }
0x78: {  	_ =	shalt  }
0x79: {  	_ =	shalt  }
0x7a: {  	_ =	shalt  }
0x7b: {  	_ =	shalt  }
0x7c: {  	_ =	shalt  }
0x7d: {  	_ =	shalt  }
0x7e: {  	_ =	shalt  }
0x7f: {  	_ =	shalt  }
0x80: {  	_ =	shalt  }
0x81: {  	_ =	shalt  }
0x82: {  	_ =	shalt  }
0x83: {  	_ =	shalt  }
0x84: {  	_ =	shalt  }
0x85: {  	_ =	shalt  }
0x86: {  	_ =	shalt  }
0x87: {  	_ =	shalt  }
.Lfunc_end0:
.L_simem_size_0:
called_computation_lowered:
.L_overlay_start_0:
0x88: {  	s2 =	sld [smem:$0x3FD9]  }
0x89: {  	s3 =	sld [smem:$0x3FFE];
	_ =	sdelay $0x1  }
0x8a: {  	s1 =	srdreg.scid  }
0x8b: {  	s0 =	sand.u32 $0x1, s1  }
0x8c: {  	s17 =	sshll.u32 s0, $0xA;
	s2 =	sadd.s32 s3, s2  }
0x8d: {  	s2 =	sadd.s32 s2, s17  }
0x8e: {  	[smem:$0x3FC3] =	sst s2  }
0x8f: {  	_ = 	snop  }
0x90: {  	s2 =	sld [smem:$0x3FC8]  }
0x91: {  	s18 =	sld [smem:$0x3FD0];
	(tm) =	ssettm $0x1  }
0x92: {  	s4 =	sld [smem:$0x3FFB];
	_ =	sdelay $0x3  }
0x93: {  	_ =	strace s4  }
0x94: {  	s4 =	sld [smem:$0x3FFC];
	_ =	sdelay $0x3  }
0x95: {  	_ =	strace s4  }
0x96: {  	s4 =	sld [smem:$0x3FFD];
	_ =	sdelay $0x3  }
0x97: {  	_ =	strace s4  }
0x98: {  	_ =	strace $0x8FFFFFFF  }
0x99: {  	s19 =	sld [smem:$0x3FDB];
	_ =	sdelay $0x1  }
0x9a: {  	s5 =	simm.s32 $_scs_section_size  }
0x9b: {  	s6 =	simm.s32 $_size__tile_overlayer_lowered;
	s7 =	simm.s32 $_tile_overlayer_lowered  }
0x9c: {  	s22 =	simm.s32 $0x1BFF;
	s21 =	sshll.u32 s7, $0x1;
	s4 =	sadd.s32 s5, s19  }
0x9d: {  	s8 =	simm.s32 $0x0;
	s20 =	sshll.u32 s6, $0x1;
	s6 =	sadd.s32 s21, s4  }
0x9e: {  	[timem:s8], [sflag:s22] =	dma.local [hbm:s6], s20  }
0x9f: {  	_ =	swait.ge [sflag:s22], s20  }
0xa0: {  	s5 =	ssub.s32 $0x0, s20;
	[sflag:s22] =	ssyncset.done $0x0  }
0xa1: {  	[sflag:s22] =	ssyncadd.s32 s5;
	_ =	sdelay $0x1  }
0xa2: {  	s23 =	simm.s32 $0x1B8B  }
0xa3: {  	_ =	swait.ge [sflag:s23], $0x1  }
0xa4: {  	[sflag:s23] =	ssyncset.done $0x0  }
0xa5: {  	s25 =	simm.s32 $0x1B8E;
	s24 =	sld [smem:$0x3FFE];
	[sflag:s23] =	ssyncadd.s32 $0xFFFFFFFF  }
0xa6: {  	s26 =	simm.s32 $execute0_lowered;
	[smem:$0x3FD2] =	sst s25  }
0xa7: {  	s6 =	sshll.u32 s26, $0x1;
	_ =	strace $0x80000046;
	[dreg:$0x1] =	wrdreg $0xFFFFFFFF  }
0xa8: {  	s28 =	simm.s32 $_size_execute0_lowered;
	s4 =	sadd.s32 s4, s6;
	[dreg:$0x0] =	wrdreg $0x0  }
0xa9: {  	s6 =	sshll.u32 s28, $0x1;
	[dreg:$0x2] =	wrdreg s4  }
0xaa: {  	[dreg:$0x3] =	wrdreg s6  }
0xab: {  	[dreg:$0x4] =	wrdreg $0xC0  }
0xac: {  	_ =	task [dreg:s8], $0x5FFFF  }
0xad: {  	[dreg:$0x1] =	wrdreg $0xFFFFFFFF  }
0xae: {  	[dreg:$0x0] =	wrdreg $0x60  }
0xaf: {  	[dreg:$0x2] =	wrdreg s2  }
0xb0: {  	[dreg:$0x3] =	wrdreg s24  }
0xb1: {  	[dreg:$0x4] =	wrdreg s18  }
0xb2: {  	[dreg:$0x5] =	wrdreg $0x9  }
0xb3: {  	_ =	task.clear_ibuf [dreg:s8], $0x6FFFF;
	_ =	strace $0x90000046  }
0xb4: {  	s29 =	simm.s32 $0x9;
	_ =	strace $0x80000048  }
0xb5: {  	_ =	swait.ge [sflag:s29], $0x1  }
0xb6: {  	[sflag:s29] =	ssyncadd.s32 $0xFFFFFFFF  }
0xb7: {  	_ =	strace $0x90000048  }
0xb8: {  	_ =	sfence  }
0xb9: {  	s30 =	sld [smem:$0x0];
	_ =	sdelay $0x2  }
0xba: {  	s31 =	sshll.u32 s1, $0xD;
	s1 =	sshrl.u32 s1, $0x2  }
0xbb: {  	s3 =	sand.u32 $0x4000, s31;
	s1 =	sadd.s32 s1, s30  }
0xbc: {  	s0 =	sor.u32 s3, s0;
	s1 =	sshll.u32 s1, $0x11  }
0xbd: {  	s0 =	sor.u32 s1, s0  }
0xbe: {  	s0 =	sadd.s32 $0x8F2B, s0  }
0xbf: {  	[sflag:s0] =	ssyncadd.remote.s32 $0x1  }
0xc0: {  	_ =	sfence.sel $0xFFFF  }
0xc1: {  	[dreg:$0x0] =	wrdreg $0xFFFFFFFF;
	(pc) =	sbr.abs _section_cstart, $3  }
0xc2: {  	[dreg:$0x1] =	wrdreg $0xFFFFFFFF  }
0xc3: {  	_ =	task.clear_ibuf [dreg:s8], $0x2FFFF;
	_ =	strace $0x9FFFFFFF  }
0xc4: {  	(tm) =	ssettm $0x7FFFFFFF  }
0xc5: {  	_ =	shalt  }
tec
execute0_lowered:
.L_overlay_start_1:
0x0: {  	(tag) =	ssettag $0x1  }
0x1: {  	s1 =	rddreg [dreg:$0x0]  }
0x2: {  	s0 =	rddreg [dreg:$0x1]  }
0x3: {  	s3 =	rddreg [dreg:$0x2]  }
0x4: {  	s4 =	simm.s32 $0x0;
	s2 =	srdreg.scid;
	s5 =	stileid.u32  }
0x5: {  	s10 =	simm.s32 $0x2080;
	s11 =	simm.s32 $0x2;
	[smem:$0x7FF] =	sst s4  }
0x6: {  	v0 =	vimm.f32 $-3.399999950e+38;
	s12 =	simm.s32 $0x2280;
	s13 =	simm.s32 $0x80;
	_ =	strace $0x80000047  }
0x7: {  	s14 =	simm.s32 $0x400;
	s15 =	simm.s32 $0x1000;
	s16 =	simm.s32 $0x20;
	(xrf0) =	vmax.scan.msk.f32 $0xffff, v0  }
0x8: {  	s17 =	simm.s32 $0xA280;
	s18 =	simm.s32 $0x1;
	s19 =	simm.s32 $0x6280  }
0x9: {  	s20 =	simm.s32 $0xB280;
	s2 =	sand.u32 $0x1, s2;
	s5 =	sshll.u32 s5, $0x1  }
.Ltmp0:
0xa: {  	s21 =	simm.s32 $0x0;
	s6 =	sor.u32 s2, s5;
	(pc) =	sbr.rel .LBB2_1-.Ltmp0, $4  }
0xb: {  	s2 =	ssub.s32 $0x2, s2;
	s5 =	sadd.s32 $0x800, s0;
	s7 =	sshll.u32 s6, $0x6;
	v0 =	vlaneseq.u32  }
0xc: {  	s8 =	sshrl.u32 s2, $0x1;
	s7 =	sadd.s32 s7, s0;
	s0 =	sadd.s32 $0x10800, s0;
	v4 =	vmul.u32 $0xFFFFFFFF, v0  }
0xd: {  	v1 =	vimm.s32 $0x0;
	s30 =	ssub.s32 s2, s8;
	[dreg:$0x4] =	wrdreg s0;
	s31 =	sadd.s32 $0x11000, s7;
	_, v2, _ =	vpop (xrf0)  }
0xe: {  	s8 =	sshll.u32 s6, $0x7;
	v3 =	vor.u32 $0x20, v0;
	s9 =	smax.u32 s30, $0x1;
	[dreg:$0x5] =	wrdreg s31;
	v4 =	vadd.s32 $0xF, v4;
	v2 =	vor.u32 $0x10, v0  }
.LBB2_84:
0xf: {  	s21 =	sadd.s32 $0x1, s21  }
0x10: {  	p0 =	sne.s32 s21, s9  }
.Ltmp1:
0x11: {  	_ = 	snop;
	(pc) =	sbr.rel @!p0 .LBB2_85-.Ltmp1, $1  }
0x12: {  	_ =	sdelay $0x3  }
.LBB2_1:
0x13: {  	s0 =	rddreg [dreg:$0x5]  }
0x14: {  	[tilespmem:s10], [sflag:$0x2] =	stream.linear.gather [hbm4b:s0+s4], $0x200, $0x38;
	[tilespmem:$0xB300] =	vst v63  }
0x15: {  	_ =	swait.ge [sflag:s11], $0x200  }
0x16: {  	[sflag:s11] =	ssyncset.done $0x0  }
.Ltmp2:
0x17: {  	s31 =	rddreg [dreg:$0x4];
	[sflag:s11] =	ssyncadd.s32 $0xFFFFFE00;
	(pc) =	sbr.rel .LBB2_2-.Ltmp2, $4  }
0x18: {  	[tilespmem:s12], [sflag:$0x2] =	stream.linear.gather [hbm4b:s31+s4], $0x4000, $0x38;
	[tilespmem:$0xB300] =	vst v63  }
0x19: {  	_ =	swait.ge [sflag:s11], $0x4000  }
0x1a: {  	[sflag:s11] =	ssyncset.done $0x0  }
0x1b: {  	s22 =	simm.s32 $0x0;
	[sflag:s11] =	ssyncadd.s32 $0xFFFFC000  }
.LBB2_83:
0x1c: {  	v16 =	vmul.f32 v16, v6  }
0x1d: {  	v6 =	vmul.f32 v15, v6  }
0x1e: {  	v14 =	vmul.f32 v14, v7;
	[tilespmem:$0xB280] =	vst v16  }
0x1f: {  	[tilespmem:$0xB290] =	vst v6;
	v6 =	vmul.f32 v13, v7  }
0x20: {  	[tilespmem:$0xB2A0] =	vst v14;
	v7 =	vmul.f32 v12, v8  }
0x21: {  	[tilespmem:$0xB2B0] =	vst v6;
	v6 =	vmul.f32 v10, v8  }
0x22: {  	s0 =	sshll.u32 s24, $0xA;
	[tilespmem:$0xB2C0] =	vst v7;
	v7 =	vmul.f32 v9, v5  }
0x23: {  	s22 =	sadd.s32 $0x1, s22;
	s0 =	sor.u32 s23, s0;
	v5 =	vmul.f32 v11, v5;
	[tilespmem:$0xB2D0] =	vst v6  }
0x24: {  	p0 =	sne.s32 s22, $0x80;
	s0 =	sshrl.u32 s0, $0x3;
	[tilespmem:$0xB2E0] =	vst v7  }
.Ltmp3:
0x25: {  	s0 =	sadd.s32 s3, s0;
	[tilespmem:$0xB2F0] =	vst v5;
	(pc) =	sbr.rel @!p0 .LBB2_84-.Ltmp3, $4  }
0x26: {  	[hbm4b:s0+s4] =	stream.linear.scatter [tilespmem:s20], [sflag:$0x2], $0x80, $0x38;
	[tilespmem:$0xB300] =	vst v63  }
0x27: {  	_ =	swait.ge [sflag:s11], $0x80  }
0x28: {  	[sflag:s11] =	ssyncset.done $0x0  }
0x29: {  	[sflag:s11] =	ssyncadd.s32 $0xFFFFFF80  }
.LBB2_2:
0x2a: {  	s0 =	sadd.s32 s8, s22  }
0x2b: {  	s30 =	sshll.u32 s22, $0x7;
	s24 =	sshrl.u32 s0, $0x3  }
0x2c: {  	s23 =	sand.u32 $0x380, s30;
	s31 =	sshll.u32 s24, $0xF  }
0x2d: {  	s0 =	sor.u32 s23, s31  }
0x2e: {  	s0 =	sshrl.u32 s0, $0x3  }
0x2f: {  	s2 =	sadd.s32 s1, s0;
	s0 =	simm.s32 $0x0  }
0x30: {  	[tilespmem:s0], [sflag:$0x2] =	stream.strided.gather [hbm4b:s2+s13], $0x1000, s14, s13, $0x38;
	[tilespmem:$0xB300] =	vst v63  }
0x31: {  	_ =	swait.ge [sflag:s11], $0x1000  }
0x32: {  	[sflag:s11] =	ssyncset.done $0x0  }
0x33: {  	[sflag:s11] =	ssyncadd.s32 $0xFFFFF000  }
0x34: {  	v6 =	vimm.s32 $0x0;
	v5 =	vimm.s32 $0x0;
	s6 =	simm.s32 $0x0;
	s2 =	simm.s32 $0x10;
	v7 =	vld [tilespmem:s0+$0x0]  }
.LBB2_3:
0x35: {  	p0 =	sne.s32 s2, $0xFF0;
	_ =	sdelay $0x3  }
0x36: {  	vm0 =	vlt.f32 v7, $0.0e+00;
	vm1 =	vgt.f32 v7, $0.0e+00  }
0x37: {  	vm0 =	vmor vm1, vm0  }
0x38: {  	v7 =	vsel vm0, $0x1, v1;
	v8 =	vmpcnt.ones.xlane vm0  }
0x39: {  	(xrf0) =	vadd.scan.msk.s32 $0xffff, v7  }
0x3a: {  	v6 =	vadd.s32 v6, v8;
	_ =	sdelay $0x4  }
0x3b: {  	v7, _, _ =	vpop (xrf0)  }
0x3c: {  	v7 =	vadd.s32 v7, v5;
	v5 =	vmov v6  }
0x3d: {  	v7 =	vadd.s32 $0xFFFFFFFF, v7;
	_ =	sdelay $0x1  }
.Ltmp4:
0x3e: {  	(pc) =	sbr.rel @p0 .LBB2_3-.Ltmp4, $4  }
0x3f: {  	_ = 	snop  }
0x40: {  	v8 =	vor.u32 s0, v0;
	s0 =	smov.u32 s2  }
0x41: {  	s6 =	sadd.s32 $0x10, s6;
	[tilespmem:v7+s15+$0x0] =	vst.idx.msk vm0, v8  }
0x42: {  	s2 =	sadd.s32 $0x10, s2;
	v7 =	vld [tilespmem:s6+$0x0]  }
0x43: {  	_ =	sdelay $0x3  }
0x44: {  	vm0 =	vlt.f32 v7, $0.0e+00;
	vm1 =	vgt.f32 v7, $0.0e+00  }
0x45: {  	vm0 =	vmor vm1, vm0  }
0x46: {  	v7 =	vmpcnt.ones.xlane vm0;
	_ =	sdelay $0x1  }
0x47: {  	v8 =	vsel vm0, $0x1, v1;
	v6 =	vadd.s32 v6, v7  }
0x48: {  	(xrf0) =	vadd.scan.msk.s32 $0xffff, v8;
	v6 =	vxor.u32 $0x80000000, v6  }
0x49: {  	(xrf0) =	vmax.scan.msk.u32 $0xffff, v6;
	_ =	sdelay $0x4  }
0x4a: {  	v6, _, _ =	vpop (xrf0)  }
0x4b: {  	v7, _, _ =	vpop (xrf0)  }
0x4c: {  	(v2sf) =	vpush v7, $0xF;
	_ =	sdelay $0xe  }
0x4d: {  	v5 =	vadd.s32 v6, v5;
	s26 =	spop (v2sf)  }
0x4e: {  	v5 =	vadd.s32 $0xFFFFFFFF, v5;
	s25 =	sxor.u32 $0x80000000, s26  }
0x4f: {  	s2 =	sadd.s32 $0x8000000F, s26;
	v6 =	vadd.s32 s25, v0  }
0x50: {  	v7 =	vadd.s32 s25, v2;
	s28 =	sshra.s32 s2, $0x4  }
0x51: {  	v63 =	vadd.s32 s25, v3;
	p0 =	slt.s32 s28, $0x1  }
.Ltmp5:
0x52: {  	v9 =	vor.u32 s0, v0;
	(pc) =	sbr.rel @p0 .LBB2_86-.Ltmp5, $4  }
0x53: {  	s0 =	simm.s32 $0x1000;
	[tilespmem:v5+s15+$0x0] =	vst.idx.msk vm0, v9  }
0x54: {  	[tilespmem:v6+s0+$0x0] =	vst.idx.msk $0xffff, v1  }
0x55: {  	[tilespmem:v7+s0+$0x0] =	vst.idx.msk $0xffff, v1  }
0x56: {  	s29 =	sshll.u32 s22, $0x2;
	v5 =	vmov s25;
	[tilespmem:v63+s0+$0x0] =	vst.idx.msk $0xffff, v1  }
0x57: {  	v6 =	vmov s29  }
0x58: {  	v6 =	vbroadcast v6, $0x0;
	_ =	sdelay $0x3  }
0x59: {  	p4 =	seq.s32 s28, $0x1  }
.Ltmp6:
0x5a: {  	_ = 	snop;
	(pc) =	sbr.rel @p4 .LBB2_6-.Ltmp6, $3  }
0x5b: {  	v6 =	vld.idx.msk [tilespmem:v6+s10+$0x0], $0xffff;
	_ =	sdelay $0x1  }
0x5c: {  	s31 =	simm.s32 $0x0;
	s30 =	sadd.s32 $0xFFFFFFFF, s28;
	s2 =	simm.s32 $0x1010  }
0x5d: {  	v7 =	vimm.f32 $-3.399999950e+38;
	v13 =	vld [tilespmem:s0+$0x0];
	p1 =	por $0x0, $0x0;
	p2 =	por $0x0, $0x0;
	p3 =	por $0x0, $0x0  }
0x5e: {  	_ = 	snop  }
0x5f: {  	p4 =	seq.s32 s30, $0x1  }
.Ltmp7:
0x60: {  	_ = 	snop;
	(pc) =	sbr.rel @p4 .LBB2_8-.Ltmp7, $4  }
0x61: {  	_ = 	snop  }
0x62: {  	v8 =	vshll.u32 v13, $0x2  }
0x63: {  	v9 =	vand.u32 $0x7F, v13;
	v8 =	vand.u32 $0xFFFFFE00, v8  }
0x64: {  	s0 =	sadd.s32 $0xFFFFFFFF, s30;
	p1 =	por $0x1, $0x1;
	v13 =	vld [tilespmem:s2+$0x0];
	s2 =	simm.s32 $0x1020;
	v8 =	vor.u32 v9, v8  }
0x65: {  	_ = 	snop  }
0x66: {  	p4 =	seq.s32 s0, $0x1  }
.Ltmp8:
0x67: {  	_ = 	snop;
	(pc) =	sbr.rel @p4 .LBB2_10-.Ltmp8, $4  }
0x68: {  	_ = 	snop  }
0x69: {  	v9 =	vshll.u32 v13, $0x2  }
0x6a: {  	v10 =	vand.u32 $0x7F, v13;
	v13 =	vld [tilespmem:s2+$0x0];
	v11 =	vand.u32 $0xFFFFFE00, v9  }
0x6b: {  	p2 =	por $0x1, $0x1;
	s2 =	sadd.s32 $0xFFFFFFFF, s0;
	s0 =	simm.s32 $0x1030;
	v9 =	vld.idx.msk [tilespmem:v8+s12+$0x0], $0xffff;
	v8 =	vor.u32 v10, v11  }
0x6c: {  	_ =	sdelay $0x2  }
0x6d: {  	v10 =	vshll.u32 v13, $0x2  }
0x6e: {  	p4 =	seq.s32 s2, $0x1;
	v12 =	vand.u32 $0x7F, v13;
	v13 =	vand.u32 $0xFFFFFE00, v10;
	v10 =	vld.idx.msk [tilespmem:v8+s12+$0x0], $0xffff  }
.Ltmp9:
0x6f: {  	v11 =	vadd.f32 v9, v6;
	v8 =	vor.u32 v12, v13;
	v13 =	vld [tilespmem:s0+$0x0];
	(pc) =	sbr.rel @p4 .LBB2_12-.Ltmp9, $4  }
0x70: {  	_ = 	snop  }
0x71: {  	v14 =	vmul.f32 $2.000000030e-01, v11  }
0x72: {  	s2 =	sadd.s32 $0xFFFFFFFF, s2;
	v12 =	vor.u32 s31, v0  }
0x73: {  	s6 =	simm.s32 $0x1040;
	p3 =	por $0x1, $0x1;
	s0 =	simm.s32 $0x0;
	vm0 =	vlt.s32 v12, v5;
	v12 =	vmax.f32 v11, v14;
	v11 =	vimm.f32 $-3.399999950e+38  }
.LBB2_13:
0x74: {  	v14 =	vand.u32 $0x7F, v13;
	v15 =	vshll.u32 v13, $0x2;
	v13 =	vld [tilespmem:s6+$0x0];
	v12 =	vnsel vm0, $0xFF7FC99E, v12;
	p4 =	seq.s32 s2, $0x1  }
.Ltmp10:
0x75: {  	s2 =	sadd.s32 $0xFFFFFFFF, s2;
	v16 =	vadd.f32 v10, v6;
	v15 =	vand.u32 $0xFFFFFE00, v15;
	v10 =	vld.idx.msk [tilespmem:v8+s12+$0x0], $0xffff;
	v11 =	vmax.f32 v11, v12;
	(pc) =	sbr.rel @!p4 .LBB2_13-.Ltmp10, $4  }
0x76: {  	v8 =	vor.u32 v14, v15  }
0x77: {  	s0 =	sadd.s32 $0x10, s0;
	v12 =	vmul.f32 $2.000000030e-01, v16  }
0x78: {  	v14 =	vor.u32 s0, v0  }
0x79: {  	s6 =	sadd.s32 $0x10, s6;
	vm0 =	vlt.s32 v14, v5;
	v12 =	vmax.f32 v16, v12  }
.LBB2_14:
0x7a: {  	_ = 	snop  }
0x7b: {  	v14 =	vshll.u32 v13, $0x2  }
0x7c: {  	v63 =	vand.u32 $0x7F, v13;
	v14 =	vand.u32 $0xFFFFFE00, v14  }
0x7d: {  	v13 =	vor.u32 v63, v14  }
0x7e: {  	v8 =	vld.idx.msk @p1 [tilespmem:v8+s12+$0x0], $0xffff;
	_ =	sdelay $0x1  }
0x7f: {  	v10 =	vadd.f32 @p2 v10, v6;
	_ =	sdelay $0x1  }
0x80: {  	s0 =	sadd.s32 @p3 $0x10, s0;
	s2 =	simm.s32 $0x0;
	v14 =	vmul.f32 @p2 $2.000000030e-01, v10;
	v13 =	vld.idx.msk [tilespmem:v13+s12+$0x0], $0xffff  }
0x81: {  	v12 =	vnsel @p3 vm0, $0xFF7FC99E, v12;
	s2 =	smov.u32 @p3 s0;
	v8 =	vpsel p1, v8, v9  }
0x82: {  	v10 =	vmax.f32 @p2 v10, v14;
	v9 =	vor.u32 @p2 s2, v0;
	v8 =	vadd.f32 @p1 v8, v6  }
0x83: {  	s0 =	sadd.s32 @p2 $0x10, s2;
	s2 =	simm.s32 $0x0;
	v10 =	vpsel p2, v10, v0;
	vm0 =	vlt.s32 @p2 v9, v5;
	v9 =	vmax.f32 @p3 v11, v12  }
0x84: {  	s2 =	smov.u32 @p2 s0;
	vm0 =	vmmov @p2 vm0;
	v9 =	vpsel p3, v9, v7;
	v11 =	vmul.f32 @p1 $2.000000030e-01, v8  }
0x85: {  	v12 =	vor.u32 @p1 s2, v0;
	v10 =	vnsel @p2 vm0, $0xFF7FC99E, v10;
	v13 =	vadd.f32 v13, v6  }
0x86: {  	s0 =	sadd.s32 @p1 $0x10, s2;
	vm0 =	vlt.s32 @p1 v12, v5;
	v9 =	vmax.f32 @p2 v9, v10;
	v8 =	vmax.f32 @p1 v8, v11  }
0x87: {  	s31 =	smov.u32 @p1 s0;
	vm0 =	vmmov @p1 vm0;
	v8 =	vpsel p1, v8, v0;
	v10 =	vmul.f32 $2.000000030e-01, v13  }
0x88: {  	v9 =	vpsel p2, v9, v7;
	v11 =	vor.u32 s31, v0;
	v8 =	vnsel @p1 vm0, $0xFF7FC99E, v8  }
0x89: {  	vm15 =	vlt.s32 v11, v5;
	v8 =	vmax.f32 @p1 v9, v8;
	v9 =	vmax.f32 v13, v10  }
0x8a: {  	v7 =	vpsel p1, v8, v7;
	v8 =	vnsel vm15, $0xFF7FC99E, v9  }
0x8b: {  	v7 =	vmax.f32 v7, v8  }
0x8c: {  	(xrf0) =	vmax.scan.msk.f32 $0xffff, v7;
	_ =	sdelay $0x5  }
0x8d: {  	v7, _, _ =	vpop (xrf0)  }
0x8e: {  	v7 =	vperm.xlane v7, v4;
	_ =	sdelay $0x1  }
0x8f: {  	(xrf0) =	vmax.scan.msk.f32 $0xffff, v7  }
0x90: {  	p2 =	sne.s32 s28, $0x1  }
.Ltmp11:
0x91: {  	_ = 	snop;
	(pc) =	sbr.rel @!p2 .LBB2_15-.Ltmp11, $2  }
0x92: {  	_ =	sdelay $0x2  }
0x93: {  	s6 =	simm.s32 $0x0;
	s0 =	simm.s32 $0x0;
	p1 =	por $0x0, $0x0;
	v7 =	vimm.f32 $0.0e+00;
	v8, _, _ =	vpop (xrf0)  }
0x94: {  	v9 =	vld [tilespmem:s6+$0x1000];
	_ =	sdelay $0x4  }
0x95: {  	v10 =	vshll.u32 v9, $0x2  }
0x96: {  	v9 =	vand.u32 $0x7F, v9;
	v10 =	vand.u32 $0xFFFFFE00, v10  }
0x97: {  	v9 =	vor.u32 v9, v10;
	_ =	sdelay $0x4  }
0x98: {  	v9 =	vld.idx.msk [tilespmem:v9+s12+$0x0], $0xffff;
	_ =	sdelay $0x4  }
0x99: {  	v9 =	vadd.f32 v9, v6;
	_ =	sdelay $0x1  }
0x9a: {  	v10 =	vmul.f32 $2.000000030e-01, v9  }
0x9b: {  	v11 =	vor.u32 s0, v0  }
0x9c: {  	vm0 =	vlt.s32 v11, v5;
	v9 =	vmax.f32 v9, v10  }
0x9d: {  	v9 =	vnsel vm0, $0xFF7FC99E, v9  }
0x9e: {  	v9 =	vsub.f32 v9, v8;
	_ =	sdelay $0x1  }
0x9f: {  	v9 =	vmul.f32 $1.442695020e+00, v9;
	_ =	sdelay $0x1  }
0xa0: {  	(erf) = vpow2.f32 v9;
	_ =	sdelay $0x4  }
0xa1: {  	p2 =	sne.s32 s30, $0x1  }
.Ltmp12:
0xa2: {  	_ = 	snop;
	(pc) =	sbr.rel @!p2 .LBB2_17-.Ltmp12, $4  }
0xa3: {  	_ = 	snop  }
0xa4: {  	s2 =	sand.u32 $0x70, s0;
	s7 =	sand.u32 $0xFFFFFE00, s0  }
0xa5: {  	s31 =	simm.s32 $0x40;
	s6 =	simm.s32 $0x10;
	s7 =	sor.u32 s2, s7;
	v9 =	vpop (erf)  }
0xa6: {  	p1 =	por $0x1, $0x1;
	s2 =	sadd.s32 $0xFFFFFFFF, s30;
	s30 =	simm.s32 $0x0;
	[tilespmem:s7+$0x6280] =	vst v9;
	v7 =	vadd.f32 v9, v7  }
.LBB2_18:
0xa7: {  	p2 =	sne.s32 s2, $0x1;
	v9 =	vld [tilespmem:s6+$0x1000];
	_ =	sdelay $0x4  }
0xa8: {  	v10 =	vshll.u32 v9, $0x2  }
0xa9: {  	v9 =	vand.u32 $0x7F, v9;
	v10 =	vand.u32 $0xFFFFFE00, v10  }
0xaa: {  	v9 =	vor.u32 v9, v10;
	_ =	sdelay $0x4  }
0xab: {  	v9 =	vld.idx.msk [tilespmem:v9+s12+$0x0], $0xffff;
	_ =	sdelay $0x5  }
0xac: {  	v9 =	vadd.f32 v9, v6;
	_ =	sdelay $0x1  }
0xad: {  	s30 =	sadd.s32 $0x10, s30;
	v10 =	vmul.f32 $2.000000030e-01, v9  }
0xae: {  	v11 =	vor.u32 s30, v0  }
0xaf: {  	vm0 =	vlt.s32 v11, v5;
	v9 =	vmax.f32 v9, v10  }
0xb0: {  	v9 =	vnsel vm0, $0xFF7FC99E, v9  }
0xb1: {  	v9 =	vsub.f32 v9, v8;
	_ =	sdelay $0x1  }
0xb2: {  	v9 =	vmul.f32 $1.442695020e+00, v9;
	_ =	sdelay $0x1  }
0xb3: {  	(erf) = vpow2.f32 v9;
	_ =	sdelay $0x5  }
.Ltmp13:
0xb4: {  	(pc) =	sbr.rel @p2 .LBB2_18-.Ltmp13, $4  }
0xb5: {  	_ = 	snop  }
0xb6: {  	s7 =	sand.u32 $0xFFFFFE00, s31;
	s6 =	sand.u32 $0x70, s30  }
0xb7: {  	s31 =	sadd.s32 $0x40, s31;
	s7 =	sor.u32 s6, s7;
	v9 =	vpop (erf)  }
0xb8: {  	s2 =	sadd.s32 $0xFFFFFFFF, s2;
	s6 =	sshra.s32 s31, $0x2;
	[tilespmem:s7+$0x6280] =	vst v9;
	v7 =	vadd.f32 v9, v7  }
.LBB2_19:
0xb9: {  	v9 =	vld [tilespmem:s6+$0x1000];
	_ =	sdelay $0x4  }
0xba: {  	v10 =	vshll.u32 v9, $0x2  }
0xbb: {  	v9 =	vand.u32 $0x7F, v9;
	v10 =	vand.u32 $0xFFFFFE00, v10  }
0xbc: {  	v9 =	vor.u32 v9, v10;
	_ =	sdelay $0x4  }
0xbd: {  	v9 =	vld.idx.msk [tilespmem:v9+s12+$0x0], $0xffff;
	_ =	sdelay $0x4  }
0xbe: {  	v6 =	vadd.f32 v9, v6  }
0xbf: {  	s2 =	sadd.s32 @p1 $0x10, s30  }
0xc0: {  	s0 =	smov.u32 @p1 s2;
	v9 =	vmul.f32 $2.000000030e-01, v6  }
0xc1: {  	v63 =	vor.u32 s0, v0  }
0xc2: {  	vm0 =	vlt.s32 v63, v5;
	v6 =	vmax.f32 v6, v9  }
0xc3: {  	v6 =	vnsel vm0, $0xFF7FC99E, v6  }
0xc4: {  	v6 =	vsub.f32 v6, v8;
	_ =	sdelay $0x1  }
0xc5: {  	v6 =	vmul.f32 $1.442695020e+00, v6;
	_ =	sdelay $0x1  }
0xc6: {  	(erf) = vpow2.f32 v6;
	_ =	sdelay $0x5  }
.Ltmp14:
0xc7: {  	_ = 	snop;
	(pc) =	sbr.rel .LBB2_20-.Ltmp14, $4  }
0xc8: {  	_ = 	snop  }
0xc9: {  	s31 =	sand.u32 $0xFFFFFE00, s31;
	s0 =	sand.u32 $0x70, s0  }
0xca: {  	s0 =	sor.u32 s0, s31;
	v6 =	vpop (erf)  }
0xcb: {  	[tilespmem:s0+$0x6280] =	vst v6;
	v6 =	vadd.f32 v6, v7  }
.LBB2_86:
0xcc: {  	v6 =	vimm.f32 $0.0e+00  }
.LBB2_20:
0xcd: {  	_ = 	snop  }
0xce: {  	(xrf2) =	vadd.scan.msk.f32 $0xffff, v6;
	_ =	sdelay $0x9  }
0xcf: {  	v6, _, _ =	vpop (xrf2)  }
0xd0: {  	v6 =	vperm.xlane v6, v4;
	_ =	sdelay $0x1  }
0xd1: {  	(xrf0) =	vmax.scan.msk.f32 $0xffff, v6;
	_ =	sdelay $0x5  }
0xd2: {  	v6, _, _ =	vpop (xrf0)  }
0xd3: {  	(erf) = vrcp.f32 v6;
	_ =	sdelay $0x4  }
.Ltmp15:
0xd4: {  	_ = 	snop;
	(pc) =	sbr.rel @p0 .LBB2_87-.Ltmp15, $2  }
0xd5: {  	_ =	sdelay $0x2  }
0xd6: {  	v6 =	vpop (erf)  }
0xd7: {  	s0 =	sor.u32 $0x1, s29  }
0xd8: {  	v7 =	vmov s0  }
0xd9: {  	v7 =	vand.u32 $0xFFFFFFFD, v7  }
0xda: {  	v7 =	vbroadcast v7, $0x0;
	_ =	sdelay $0x2  }
0xdb: {  	s7 =	simm.s32 $0x1000  }
0xdc: {  	p4 =	seq.s32 s28, $0x1;
	v14 =	vld [tilespmem:s7+$0x0]  }
.Ltmp16:
0xdd: {  	_ = 	snop;
	(pc) =	sbr.rel @p4 .LBB2_22-.Ltmp16, $3  }
0xde: {  	v7 =	vld.idx.msk [tilespmem:v7+s10+$0x0], $0xffff;
	_ =	sdelay $0x1  }
0xdf: {  	s31 =	simm.s32 $0x0;
	s30 =	sadd.s32 $0xFFFFFFFF, s28;
	p1 =	por $0x0, $0x0  }
0xe0: {  	v8 =	vimm.f32 $-3.399999950e+38;
	p2 =	por $0x0, $0x0;
	p3 =	por $0x0, $0x0;
	s0 =	simm.s32 $0x1010;
	v11 =	vshll.u32 v14, $0x2  }
0xe1: {  	v10 =	vld [tilespmem:s0+$0x0];
	p4 =	seq.s32 s30, $0x1  }
.Ltmp17:
0xe2: {  	_ = 	snop;
	(pc) =	sbr.rel @p4 .LBB2_24-.Ltmp17, $4  }
0xe3: {  	_ = 	snop  }
0xe4: {  	v9 =	vand.u32 $0x7F, v14;
	v11 =	vand.u32 $0xFFFFFE00, v11  }
0xe5: {  	v9 =	vor.u32 v11, v9  }
0xe6: {  	s0 =	sadd.s32 $0xFFFFFFFF, s30;
	s2 =	simm.s32 $0x1020;
	p1 =	por $0x1, $0x1;
	v9 =	vor.u32 $0x80, v9;
	v11 =	vshll.u32 v10, $0x2  }
0xe7: {  	v14 =	vld [tilespmem:s2+$0x0];
	p4 =	seq.s32 s0, $0x1  }
.Ltmp18:
0xe8: {  	_ = 	snop;
	(pc) =	sbr.rel @p4 .LBB2_26-.Ltmp18, $4  }
0xe9: {  	_ = 	snop  }
0xea: {  	v10 =	vand.u32 $0x7F, v10;
	v11 =	vand.u32 $0xFFFFFE00, v11  }
0xeb: {  	v11 =	vor.u32 v11, v10  }
0xec: {  	s0 =	sadd.s32 $0xFFFFFFFF, s0;
	s2 =	simm.s32 $0x1030;
	p2 =	por $0x1, $0x1;
	v10 =	vld.idx.msk [tilespmem:v9+s12+$0x0], $0xffff;
	v9 =	vor.u32 $0x80, v11;
	v11 =	vshll.u32 v14, $0x2  }
0xed: {  	_ =	sdelay $0x2  }
0xee: {  	v16 =	vld [tilespmem:s2+$0x0];
	v12 =	vand.u32 $0x7F, v14;
	v11 =	vand.u32 $0xFFFFFE00, v11;
	p4 =	seq.s32 s0, $0x1  }
.Ltmp19:
0xef: {  	v11 =	vor.u32 v11, v12;
	v13 =	vadd.f32 v10, v7;
	(pc) =	sbr.rel @p4 .LBB2_28-.Ltmp19, $4  }
0xf0: {  	v12 =	vld.idx.msk [tilespmem:v9+s12+$0x0], $0xffff;
	v9 =	vor.u32 $0x80, v11  }
0xf1: {  	v15 =	vor.u32 s31, v0;
	v14 =	vmul.f32 $2.000000030e-01, v13  }
0xf2: {  	s2 =	sadd.s32 $0xFFFFFFFF, s0;
	vm0 =	vlt.s32 v15, v5  }
0xf3: {  	s6 =	simm.s32 $0x1040;
	p3 =	por $0x1, $0x1;
	s0 =	simm.s32 $0x0;
	v11 =	vshll.u32 v16, $0x2;
	v15 =	vmax.f32 v13, v14;
	v13 =	vimm.f32 $-3.399999950e+38  }
.LBB2_29:
0xf4: {  	p4 =	seq.s32 s2, $0x1;
	s2 =	sadd.s32 $0xFFFFFFFF, s2;
	v14 =	vand.u32 $0x7F, v16;
	v16 =	vld [tilespmem:s6+$0x0];
	v11 =	vand.u32 $0xFFFFFE00, v11;
	v15 =	vnsel vm0, $0xFF7FC99E, v15  }
.Ltmp20:
0xf5: {  	v11 =	vor.u32 v11, v14;
	v14 =	vadd.f32 v12, v7;
	v12 =	vld.idx.msk [tilespmem:v9+s12+$0x0], $0xffff;
	v13 =	vmax.f32 v13, v15;
	(pc) =	sbr.rel @!p4 .LBB2_29-.Ltmp20, $4  }
0xf6: {  	v9 =	vor.u32 $0x80, v11  }
0xf7: {  	s0 =	sadd.s32 $0x10, s0;
	v15 =	vmul.f32 $2.000000030e-01, v14  }
0xf8: {  	v17 =	vor.u32 s0, v0  }
0xf9: {  	s6 =	sadd.s32 $0x10, s6;
	vm0 =	vlt.s32 v17, v5;
	v11 =	vshll.u32 v16, $0x2;
	v15 =	vmax.f32 v14, v15  }
0xfa: {  	v14 =	vmov v16  }
.LBB2_31:
0xfb: {  	_ = 	snop  }
0xfc: {  	v14 =	vand.u32 $0x7F, v14;
	v11 =	vand.u32 $0xFFFFFE00, v11  }
0xfd: {  	v11 =	vor.u32 v11, v14  }
0xfe: {  	v11 =	vor.u32 $0x80, v11  }
0xff: {  	v9 =	vld.idx.msk @p1 [tilespmem:v9+s12+$0x0], $0xffff;
	_ =	sdelay $0x1  }
0x100: {  	v12 =	vadd.f32 @p2 v12, v7;
	_ =	sdelay $0x1  }
0x101: {  	s0 =	sadd.s32 @p3 $0x10, s0;
	s2 =	simm.s32 $0x0;
	v14 =	vmul.f32 @p2 $2.000000030e-01, v12;
	v11 =	vld.idx.msk [tilespmem:v11+s12+$0x0], $0xffff  }
0x102: {  	v15 =	vnsel @p3 vm0, $0xFF7FC99E, v15;
	s2 =	smov.u32 @p3 s0;
	v9 =	vpsel p1, v9, v10  }
0x103: {  	v12 =	vmax.f32 @p2 v12, v14;
	v10 =	vor.u32 @p2 s2, v0;
	v9 =	vadd.f32 @p1 v9, v7  }
0x104: {  	s0 =	sadd.s32 @p2 $0x10, s2;
	s2 =	simm.s32 $0x0;
	v12 =	vpsel p2, v12, v0;
	vm0 =	vlt.s32 @p2 v10, v5;
	v10 =	vmax.f32 @p3 v13, v15  }
0x105: {  	s2 =	smov.u32 @p2 s0;
	vm0 =	vmmov @p2 vm0;
	v10 =	vpsel p3, v10, v8;
	v13 =	vmul.f32 @p1 $2.000000030e-01, v9  }
0x106: {  	v14 =	vor.u32 @p1 s2, v0;
	v12 =	vnsel @p2 vm0, $0xFF7FC99E, v12;
	v11 =	vadd.f32 v11, v7  }
0x107: {  	s0 =	sadd.s32 @p1 $0x10, s2;
	vm0 =	vlt.s32 @p1 v14, v5;
	v10 =	vmax.f32 @p2 v10, v12;
	v9 =	vmax.f32 @p1 v9, v13  }
0x108: {  	s31 =	smov.u32 @p1 s0;
	vm0 =	vmmov @p1 vm0;
	v9 =	vpsel p1, v9, v0;
	v62 =	vmul.f32 $2.000000030e-01, v11  }
0x109: {  	v63 =	vor.u32 s31, v0;
	v10 =	vpsel p2, v10, v8;
	v9 =	vnsel @p1 vm0, $0xFF7FC99E, v9  }
0x10a: {  	vm15 =	vlt.s32 v63, v5;
	v9 =	vmax.f32 @p1 v10, v9;
	v10 =	vmax.f32 v11, v62  }
0x10b: {  	v8 =	vpsel p1, v9, v8;
	v9 =	vnsel vm15, $0xFF7FC99E, v10  }
0x10c: {  	v8 =	vmax.f32 v8, v9  }
0x10d: {  	(xrf0) =	vmax.scan.msk.f32 $0xffff, v8;
	_ =	sdelay $0x5  }
0x10e: {  	v8, _, _ =	vpop (xrf0)  }
0x10f: {  	v8 =	vperm.xlane v8, v4;
	_ =	sdelay $0x1  }
0x110: {  	(xrf0) =	vmax.scan.msk.f32 $0xffff, v8  }
0x111: {  	p2 =	sne.s32 s28, $0x1  }
.Ltmp21:
0x112: {  	_ = 	snop;
	(pc) =	sbr.rel @!p2 .LBB2_32-.Ltmp21, $2  }
0x113: {  	_ =	sdelay $0x2  }
0x114: {  	s6 =	simm.s32 $0x0;
	s31 =	simm.s32 $0x0;
	p1 =	por $0x0, $0x0;
	v8 =	vimm.f32 $0.0e+00;
	v9, _, _ =	vpop (xrf0)  }
0x115: {  	v10 =	vld [tilespmem:s6+$0x1000];
	_ =	sdelay $0x4  }
0x116: {  	v11 =	vshll.u32 v10, $0x2  }
0x117: {  	v10 =	vand.u32 $0x7F, v10;
	v11 =	vand.u32 $0xFFFFFE00, v11  }
0x118: {  	v10 =	vor.u32 v11, v10  }
0x119: {  	v10 =	vor.u32 $0x80, v10;
	_ =	sdelay $0x4  }
0x11a: {  	v10 =	vld.idx.msk [tilespmem:v10+s12+$0x0], $0xffff;
	_ =	sdelay $0x4  }
0x11b: {  	v10 =	vadd.f32 v10, v7;
	_ =	sdelay $0x1  }
0x11c: {  	v11 =	vmul.f32 $2.000000030e-01, v10  }
0x11d: {  	v12 =	vor.u32 s31, v0  }
0x11e: {  	vm0 =	vlt.s32 v12, v5;
	v10 =	vmax.f32 v10, v11  }
0x11f: {  	v10 =	vnsel vm0, $0xFF7FC99E, v10  }
0x120: {  	v10 =	vsub.f32 v10, v9;
	_ =	sdelay $0x1  }
0x121: {  	v10 =	vmul.f32 $1.442695020e+00, v10;
	_ =	sdelay $0x1  }
0x122: {  	(erf) = vpow2.f32 v10;
	_ =	sdelay $0x4  }
0x123: {  	p2 =	sne.s32 s30, $0x1  }
.Ltmp22:
0x124: {  	_ = 	snop;
	(pc) =	sbr.rel @!p2 .LBB2_34-.Ltmp22, $4  }
0x125: {  	_ = 	snop  }
0x126: {  	s0 =	sand.u32 $0x70, s31;
	s2 =	sand.u32 $0xFFFFFE00, s31  }
0x127: {  	s6 =	simm.s32 $0x10;
	p1 =	por $0x1, $0x1;
	s7 =	sor.u32 s0, s2;
	v10 =	vpop (erf)  }
0x128: {  	s0 =	simm.s32 $0x40;
	s2 =	sadd.s32 $0xFFFFFFFF, s30;
	s30 =	simm.s32 $0x0;
	[tilespmem:s7+$0x6300] =	vst v10;
	v8 =	vadd.f32 v10, v8  }
.LBB2_35:
0x129: {  	p2 =	sne.s32 s2, $0x1;
	v10 =	vld [tilespmem:s6+$0x1000];
	_ =	sdelay $0x4  }
0x12a: {  	v11 =	vshll.u32 v10, $0x2  }
0x12b: {  	v10 =	vand.u32 $0x7F, v10;
	v11 =	vand.u32 $0xFFFFFE00, v11  }
0x12c: {  	v10 =	vor.u32 v11, v10  }
0x12d: {  	v10 =	vor.u32 $0x80, v10;
	_ =	sdelay $0x4  }
0x12e: {  	v10 =	vld.idx.msk [tilespmem:v10+s12+$0x0], $0xffff;
	_ =	sdelay $0x5  }
0x12f: {  	v10 =	vadd.f32 v10, v7;
	_ =	sdelay $0x1  }
0x130: {  	s30 =	sadd.s32 $0x10, s30;
	v11 =	vmul.f32 $2.000000030e-01, v10  }
0x131: {  	v12 =	vor.u32 s30, v0  }
0x132: {  	vm0 =	vlt.s32 v12, v5;
	v10 =	vmax.f32 v10, v11  }
0x133: {  	v10 =	vnsel vm0, $0xFF7FC99E, v10  }
0x134: {  	v10 =	vsub.f32 v10, v9;
	_ =	sdelay $0x1  }
0x135: {  	v10 =	vmul.f32 $1.442695020e+00, v10;
	_ =	sdelay $0x1  }
0x136: {  	(erf) = vpow2.f32 v10;
	_ =	sdelay $0x5  }
.Ltmp23:
0x137: {  	(pc) =	sbr.rel @p2 .LBB2_35-.Ltmp23, $4  }
0x138: {  	_ = 	snop  }
0x139: {  	s7 =	sand.u32 $0xFFFFFE00, s0;
	s6 =	sand.u32 $0x70, s30  }
0x13a: {  	s0 =	sadd.s32 $0x40, s0;
	s7 =	sor.u32 s6, s7;
	v10 =	vpop (erf)  }
0x13b: {  	s2 =	sadd.s32 $0xFFFFFFFF, s2;
	s6 =	sshra.s32 s0, $0x2;
	[tilespmem:s7+$0x6300] =	vst v10;
	v8 =	vadd.f32 v10, v8  }
.LBB2_36:
0x13c: {  	v10 =	vld [tilespmem:s6+$0x1000];
	_ =	sdelay $0x4  }
0x13d: {  	v11 =	vshll.u32 v10, $0x2  }
0x13e: {  	v10 =	vand.u32 $0x7F, v10;
	v11 =	vand.u32 $0xFFFFFE00, v11  }
0x13f: {  	v10 =	vor.u32 v11, v10  }
0x140: {  	v10 =	vor.u32 $0x80, v10;
	_ =	sdelay $0x4  }
0x141: {  	v10 =	vld.idx.msk [tilespmem:v10+s12+$0x0], $0xffff;
	_ =	sdelay $0x4  }
0x142: {  	v7 =	vadd.f32 v10, v7  }
0x143: {  	s2 =	sadd.s32 @p1 $0x10, s30  }
0x144: {  	s31 =	smov.u32 @p1 s2;
	v10 =	vmul.f32 $2.000000030e-01, v7  }
0x145: {  	v63 =	vor.u32 s31, v0  }
0x146: {  	vm0 =	vlt.s32 v63, v5;
	v7 =	vmax.f32 v7, v10  }
0x147: {  	v7 =	vnsel vm0, $0xFF7FC99E, v7  }
0x148: {  	v7 =	vsub.f32 v7, v9;
	_ =	sdelay $0x1  }
0x149: {  	v7 =	vmul.f32 $1.442695020e+00, v7;
	_ =	sdelay $0x1  }
0x14a: {  	(erf) = vpow2.f32 v7;
	_ =	sdelay $0x5  }
.Ltmp24:
0x14b: {  	_ = 	snop;
	(pc) =	sbr.rel .LBB2_37-.Ltmp24, $4  }
0x14c: {  	_ = 	snop  }
0x14d: {  	s0 =	sand.u32 $0xFFFFFE00, s0;
	s2 =	sand.u32 $0x70, s31  }
0x14e: {  	s0 =	sor.u32 s2, s0;
	v7 =	vpop (erf)  }
0x14f: {  	[tilespmem:s0+$0x6300] =	vst v7;
	v7 =	vadd.f32 v7, v8  }
.LBB2_87:
0x150: {  	v7 =	vimm.f32 $0.0e+00  }
.LBB2_37:
0x151: {  	_ = 	snop  }
0x152: {  	(xrf2) =	vadd.scan.msk.f32 $0xffff, v7;
	_ =	sdelay $0x9  }
0x153: {  	v7, _, _ =	vpop (xrf2)  }
0x154: {  	v7 =	vperm.xlane v7, v4;
	_ =	sdelay $0x1  }
0x155: {  	(xrf0) =	vmax.scan.msk.f32 $0xffff, v7;
	_ =	sdelay $0x5  }
0x156: {  	v7, _, _ =	vpop (xrf0)  }
0x157: {  	(erf) = vrcp.f32 v7;
	_ =	sdelay $0x4  }
.Ltmp25:
0x158: {  	_ = 	snop;
	(pc) =	sbr.rel @p0 .LBB2_88-.Ltmp25, $2  }
0x159: {  	_ =	sdelay $0x2  }
0x15a: {  	v7 =	vpop (erf)  }
0x15b: {  	s0 =	sor.u32 $0x2, s29  }
0x15c: {  	v8 =	vmov s0  }
0x15d: {  	v8 =	vand.u32 $0xFFFFFFFE, v8  }
0x15e: {  	v8 =	vbroadcast v8, $0x0;
	_ =	sdelay $0x2  }
0x15f: {  	s7 =	simm.s32 $0x1000  }
0x160: {  	p4 =	seq.s32 s28, $0x1;
	v15 =	vld [tilespmem:s7+$0x0]  }
.Ltmp26:
0x161: {  	_ = 	snop;
	(pc) =	sbr.rel @p4 .LBB2_39-.Ltmp26, $3  }
0x162: {  	v8 =	vld.idx.msk [tilespmem:v8+s10+$0x0], $0xffff;
	_ =	sdelay $0x1  }
0x163: {  	s31 =	simm.s32 $0x0;
	s30 =	sadd.s32 $0xFFFFFFFF, s28;
	p1 =	por $0x0, $0x0  }
0x164: {  	v9 =	vimm.f32 $-3.399999950e+38;
	p2 =	por $0x0, $0x0;
	p3 =	por $0x0, $0x0;
	s0 =	simm.s32 $0x1010;
	v12 =	vshll.u32 v15, $0x2  }
0x165: {  	v11 =	vld [tilespmem:s0+$0x0];
	p4 =	seq.s32 s30, $0x1  }
.Ltmp27:
0x166: {  	_ = 	snop;
	(pc) =	sbr.rel @p4 .LBB2_41-.Ltmp27, $4  }
0x167: {  	_ = 	snop  }
0x168: {  	v10 =	vand.u32 $0x7F, v15;
	v12 =	vand.u32 $0xFFFFFE00, v12  }
0x169: {  	v10 =	vor.u32 v12, v10  }
0x16a: {  	s0 =	sadd.s32 $0xFFFFFFFF, s30;
	s2 =	simm.s32 $0x1020;
	p1 =	por $0x1, $0x1;
	v10 =	vor.u32 $0x100, v10;
	v12 =	vshll.u32 v11, $0x2  }
0x16b: {  	v15 =	vld [tilespmem:s2+$0x0];
	p4 =	seq.s32 s0, $0x1  }
.Ltmp28:
0x16c: {  	_ = 	snop;
	(pc) =	sbr.rel @p4 .LBB2_43-.Ltmp28, $4  }
0x16d: {  	_ = 	snop  }
0x16e: {  	v11 =	vand.u32 $0x7F, v11;
	v12 =	vand.u32 $0xFFFFFE00, v12  }
0x16f: {  	v12 =	vor.u32 v12, v11  }
0x170: {  	s0 =	sadd.s32 $0xFFFFFFFF, s0;
	s2 =	simm.s32 $0x1030;
	p2 =	por $0x1, $0x1;
	v11 =	vld.idx.msk [tilespmem:v10+s12+$0x0], $0xffff;
	v10 =	vor.u32 $0x100, v12;
	v12 =	vshll.u32 v15, $0x2  }
0x171: {  	_ =	sdelay $0x2  }
0x172: {  	v17 =	vld [tilespmem:s2+$0x0];
	v13 =	vand.u32 $0x7F, v15;
	v12 =	vand.u32 $0xFFFFFE00, v12;
	p4 =	seq.s32 s0, $0x1  }
.Ltmp29:
0x173: {  	v12 =	vor.u32 v12, v13;
	v14 =	vadd.f32 v11, v8;
	(pc) =	sbr.rel @p4 .LBB2_45-.Ltmp29, $4  }
0x174: {  	v13 =	vld.idx.msk [tilespmem:v10+s12+$0x0], $0xffff;
	v10 =	vor.u32 $0x100, v12  }
0x175: {  	v16 =	vor.u32 s31, v0;
	v15 =	vmul.f32 $2.000000030e-01, v14  }
0x176: {  	s2 =	sadd.s32 $0xFFFFFFFF, s0;
	vm0 =	vlt.s32 v16, v5  }
0x177: {  	s6 =	simm.s32 $0x1040;
	p3 =	por $0x1, $0x1;
	s0 =	simm.s32 $0x0;
	v12 =	vshll.u32 v17, $0x2;
	v16 =	vmax.f32 v14, v15;
	v14 =	vimm.f32 $-3.399999950e+38  }
.LBB2_46:
0x178: {  	p4 =	seq.s32 s2, $0x1;
	s2 =	sadd.s32 $0xFFFFFFFF, s2;
	v15 =	vand.u32 $0x7F, v17;
	v17 =	vld [tilespmem:s6+$0x0];
	v12 =	vand.u32 $0xFFFFFE00, v12;
	v16 =	vnsel vm0, $0xFF7FC99E, v16  }
.Ltmp30:
0x179: {  	v12 =	vor.u32 v12, v15;
	v15 =	vadd.f32 v13, v8;
	v13 =	vld.idx.msk [tilespmem:v10+s12+$0x0], $0xffff;
	v14 =	vmax.f32 v14, v16;
	(pc) =	sbr.rel @!p4 .LBB2_46-.Ltmp30, $4  }
0x17a: {  	v10 =	vor.u32 $0x100, v12  }
0x17b: {  	s0 =	sadd.s32 $0x10, s0;
	v16 =	vmul.f32 $2.000000030e-01, v15  }
0x17c: {  	v18 =	vor.u32 s0, v0  }
0x17d: {  	s6 =	sadd.s32 $0x10, s6;
	vm0 =	vlt.s32 v18, v5;
	v12 =	vshll.u32 v17, $0x2;
	v16 =	vmax.f32 v15, v16  }
0x17e: {  	v15 =	vmov v17  }
.LBB2_48:
0x17f: {  	_ = 	snop  }
0x180: {  	v15 =	vand.u32 $0x7F, v15;
	v12 =	vand.u32 $0xFFFFFE00, v12  }
0x181: {  	v12 =	vor.u32 v12, v15  }
0x182: {  	v12 =	vor.u32 $0x100, v12  }
0x183: {  	v10 =	vld.idx.msk @p1 [tilespmem:v10+s12+$0x0], $0xffff;
	_ =	sdelay $0x1  }
0x184: {  	v13 =	vadd.f32 @p2 v13, v8;
	_ =	sdelay $0x1  }
0x185: {  	s0 =	sadd.s32 @p3 $0x10, s0;
	s2 =	simm.s32 $0x0;
	v15 =	vmul.f32 @p2 $2.000000030e-01, v13;
	v12 =	vld.idx.msk [tilespmem:v12+s12+$0x0], $0xffff  }
0x186: {  	v16 =	vnsel @p3 vm0, $0xFF7FC99E, v16;
	s2 =	smov.u32 @p3 s0;
	v10 =	vpsel p1, v10, v11  }
0x187: {  	v13 =	vmax.f32 @p2 v13, v15;
	v11 =	vor.u32 @p2 s2, v0;
	v10 =	vadd.f32 @p1 v10, v8  }
0x188: {  	s0 =	sadd.s32 @p2 $0x10, s2;
	s2 =	simm.s32 $0x0;
	v13 =	vpsel p2, v13, v0;
	vm0 =	vlt.s32 @p2 v11, v5;
	v11 =	vmax.f32 @p3 v14, v16  }
0x189: {  	s2 =	smov.u32 @p2 s0;
	vm0 =	vmmov @p2 vm0;
	v11 =	vpsel p3, v11, v9;
	v14 =	vmul.f32 @p1 $2.000000030e-01, v10  }
0x18a: {  	v15 =	vor.u32 @p1 s2, v0;
	v13 =	vnsel @p2 vm0, $0xFF7FC99E, v13;
	v12 =	vadd.f32 v12, v8  }
0x18b: {  	s0 =	sadd.s32 @p1 $0x10, s2;
	vm0 =	vlt.s32 @p1 v15, v5;
	v11 =	vmax.f32 @p2 v11, v13;
	v10 =	vmax.f32 @p1 v10, v14  }
0x18c: {  	s31 =	smov.u32 @p1 s0;
	vm0 =	vmmov @p1 vm0;
	v10 =	vpsel p1, v10, v0;
	v62 =	vmul.f32 $2.000000030e-01, v12  }
0x18d: {  	v63 =	vor.u32 s31, v0;
	v11 =	vpsel p2, v11, v9;
	v10 =	vnsel @p1 vm0, $0xFF7FC99E, v10  }
0x18e: {  	vm15 =	vlt.s32 v63, v5;
	v10 =	vmax.f32 @p1 v11, v10;
	v11 =	vmax.f32 v12, v62  }
0x18f: {  	v9 =	vpsel p1, v10, v9;
	v10 =	vnsel vm15, $0xFF7FC99E, v11  }
0x190: {  	v9 =	vmax.f32 v9, v10  }
0x191: {  	(xrf0) =	vmax.scan.msk.f32 $0xffff, v9;
	_ =	sdelay $0x5  }
0x192: {  	v9, _, _ =	vpop (xrf0)  }
0x193: {  	v9 =	vperm.xlane v9, v4;
	_ =	sdelay $0x1  }
0x194: {  	(xrf0) =	vmax.scan.msk.f32 $0xffff, v9  }
0x195: {  	p2 =	sne.s32 s28, $0x1  }
.Ltmp31:
0x196: {  	_ = 	snop;
	(pc) =	sbr.rel @!p2 .LBB2_49-.Ltmp31, $2  }
0x197: {  	_ =	sdelay $0x2  }
0x198: {  	s6 =	simm.s32 $0x0;
	s31 =	simm.s32 $0x0;
	p1 =	por $0x0, $0x0;
	v9 =	vimm.f32 $0.0e+00;
	v10, _, _ =	vpop (xrf0)  }
0x199: {  	v11 =	vld [tilespmem:s6+$0x1000];
	_ =	sdelay $0x4  }
0x19a: {  	v12 =	vshll.u32 v11, $0x2  }
0x19b: {  	v11 =	vand.u32 $0x7F, v11;
	v12 =	vand.u32 $0xFFFFFE00, v12  }
0x19c: {  	v11 =	vor.u32 v12, v11  }
0x19d: {  	v11 =	vor.u32 $0x100, v11;
	_ =	sdelay $0x4  }
0x19e: {  	v11 =	vld.idx.msk [tilespmem:v11+s12+$0x0], $0xffff;
	_ =	sdelay $0x4  }
0x19f: {  	v11 =	vadd.f32 v11, v8;
	_ =	sdelay $0x1  }
0x1a0: {  	v63 =	vmul.f32 $2.000000030e-01, v11  }
0x1a1: {  	v13 =	vor.u32 s31, v0  }
0x1a2: {  	vm0 =	vlt.s32 v13, v5;
	v11 =	vmax.f32 v11, v63  }
0x1a3: {  	v11 =	vnsel vm0, $0xFF7FC99E, v11  }
0x1a4: {  	v11 =	vsub.f32 v11, v10;
	_ =	sdelay $0x1  }
0x1a5: {  	v11 =	vmul.f32 $1.442695020e+00, v11;
	_ =	sdelay $0x1  }
0x1a6: {  	(erf) = vpow2.f32 v11;
	_ =	sdelay $0x4  }
0x1a7: {  	p2 =	sne.s32 s30, $0x1  }
.Ltmp32:
0x1a8: {  	_ = 	snop;
	(pc) =	sbr.rel @!p2 .LBB2_51-.Ltmp32, $4  }
0x1a9: {  	_ = 	snop  }
0x1aa: {  	s0 =	sand.u32 $0x70, s31;
	s2 =	sand.u32 $0xFFFFFE00, s31  }
0x1ab: {  	s6 =	simm.s32 $0x10;
	p1 =	por $0x1, $0x1;
	s7 =	sor.u32 s0, s2;
	v11 =	vpop (erf)  }
0x1ac: {  	s0 =	simm.s32 $0x40;
	s2 =	sadd.s32 $0xFFFFFFFF, s30;
	s30 =	simm.s32 $0x0;
	[tilespmem:s7+$0x6380] =	vst v11;
	v9 =	vadd.f32 v11, v9  }
.LBB2_52:
0x1ad: {  	p2 =	sne.s32 s2, $0x1;
	v11 =	vld [tilespmem:s6+$0x1000];
	_ =	sdelay $0x4  }
0x1ae: {  	v12 =	vshll.u32 v11, $0x2  }
0x1af: {  	v11 =	vand.u32 $0x7F, v11;
	v12 =	vand.u32 $0xFFFFFE00, v12  }
0x1b0: {  	v11 =	vor.u32 v12, v11  }
0x1b1: {  	v11 =	vor.u32 $0x100, v11;
	_ =	sdelay $0x4  }
0x1b2: {  	v11 =	vld.idx.msk [tilespmem:v11+s12+$0x0], $0xffff;
	_ =	sdelay $0x5  }
0x1b3: {  	v11 =	vadd.f32 v11, v8;
	_ =	sdelay $0x1  }
0x1b4: {  	s30 =	sadd.s32 $0x10, s30;
	v12 =	vmul.f32 $2.000000030e-01, v11  }
0x1b5: {  	v13 =	vor.u32 s30, v0  }
0x1b6: {  	vm0 =	vlt.s32 v13, v5;
	v11 =	vmax.f32 v11, v12  }
0x1b7: {  	v11 =	vnsel vm0, $0xFF7FC99E, v11  }
0x1b8: {  	v11 =	vsub.f32 v11, v10;
	_ =	sdelay $0x1  }
0x1b9: {  	v11 =	vmul.f32 $1.442695020e+00, v11;
	_ =	sdelay $0x1  }
0x1ba: {  	(erf) = vpow2.f32 v11;
	_ =	sdelay $0x5  }
.Ltmp33:
0x1bb: {  	(pc) =	sbr.rel @p2 .LBB2_52-.Ltmp33, $4  }
0x1bc: {  	_ = 	snop  }
0x1bd: {  	s7 =	sand.u32 $0xFFFFFE00, s0;
	s6 =	sand.u32 $0x70, s30  }
0x1be: {  	s0 =	sadd.s32 $0x40, s0;
	s7 =	sor.u32 s6, s7;
	v11 =	vpop (erf)  }
0x1bf: {  	s2 =	sadd.s32 $0xFFFFFFFF, s2;
	s6 =	sshra.s32 s0, $0x2;
	[tilespmem:s7+$0x6380] =	vst v11;
	v9 =	vadd.f32 v11, v9  }
.LBB2_53:
0x1c0: {  	v11 =	vld [tilespmem:s6+$0x1000];
	_ =	sdelay $0x4  }
0x1c1: {  	v12 =	vshll.u32 v11, $0x2  }
0x1c2: {  	v11 =	vand.u32 $0x7F, v11;
	v12 =	vand.u32 $0xFFFFFE00, v12  }
0x1c3: {  	v11 =	vor.u32 v12, v11  }
0x1c4: {  	v11 =	vor.u32 $0x100, v11;
	_ =	sdelay $0x4  }
0x1c5: {  	v11 =	vld.idx.msk [tilespmem:v11+s12+$0x0], $0xffff;
	_ =	sdelay $0x4  }
0x1c6: {  	v8 =	vadd.f32 v11, v8  }
0x1c7: {  	s2 =	sadd.s32 @p1 $0x10, s30  }
0x1c8: {  	s31 =	smov.u32 @p1 s2;
	v11 =	vmul.f32 $2.000000030e-01, v8  }
0x1c9: {  	v63 =	vor.u32 s31, v0  }
0x1ca: {  	vm0 =	vlt.s32 v63, v5;
	v8 =	vmax.f32 v8, v11  }
0x1cb: {  	v8 =	vnsel vm0, $0xFF7FC99E, v8  }
0x1cc: {  	v8 =	vsub.f32 v8, v10;
	_ =	sdelay $0x1  }
0x1cd: {  	v8 =	vmul.f32 $1.442695020e+00, v8;
	_ =	sdelay $0x1  }
0x1ce: {  	(erf) = vpow2.f32 v8;
	_ =	sdelay $0x5  }
.Ltmp34:
0x1cf: {  	_ = 	snop;
	(pc) =	sbr.rel .LBB2_54-.Ltmp34, $4  }
0x1d0: {  	_ = 	snop  }
0x1d1: {  	s0 =	sand.u32 $0xFFFFFE00, s0;
	s2 =	sand.u32 $0x70, s31  }
0x1d2: {  	s0 =	sor.u32 s2, s0;
	v8 =	vpop (erf)  }
0x1d3: {  	[tilespmem:s0+$0x6380] =	vst v8;
	v8 =	vadd.f32 v8, v9  }
.LBB2_88:
0x1d4: {  	v8 =	vimm.f32 $0.0e+00  }
.LBB2_54:
0x1d5: {  	_ = 	snop  }
0x1d6: {  	(xrf2) =	vadd.scan.msk.f32 $0xffff, v8;
	_ =	sdelay $0x9  }
0x1d7: {  	v8, _, _ =	vpop (xrf2)  }
0x1d8: {  	v8 =	vperm.xlane v8, v4;
	_ =	sdelay $0x1  }
0x1d9: {  	(xrf0) =	vmax.scan.msk.f32 $0xffff, v8;
	_ =	sdelay $0x5  }
0x1da: {  	v8, _, _ =	vpop (xrf0)  }
0x1db: {  	(erf) = vrcp.f32 v8;
	_ =	sdelay $0x4  }
.Ltmp35:
0x1dc: {  	_ = 	snop;
	(pc) =	sbr.rel @p0 .LBB2_89-.Ltmp35, $2  }
0x1dd: {  	_ =	sdelay $0x2  }
0x1de: {  	v8 =	vpop (erf)  }
0x1df: {  	s0 =	sor.u32 $0x3, s29  }
0x1e0: {  	v9 =	vmov s0;
	_ =	sdelay $0x1  }
0x1e1: {  	s2 =	simm.s32 $0x1000  }
0x1e2: {  	p3 =	seq.s32 s28, $0x1;
	v16 =	vld [tilespmem:s2+$0x0]  }
.Ltmp36:
0x1e3: {  	_ = 	snop;
	(pc) =	sbr.rel @p3 .LBB2_56-.Ltmp36, $3  }
0x1e4: {  	v9 =	vld.idx.msk [tilespmem:v9+s10+$0x0], $0xffff;
	_ =	sdelay $0x1  }
0x1e5: {  	s30 =	simm.s32 $0x0;
	s29 =	sadd.s32 $0xFFFFFFFF, s28;
	p0 =	por $0x0, $0x0  }
0x1e6: {  	v10 =	vimm.f32 $-3.399999950e+38;
	p1 =	por $0x0, $0x0;
	p2 =	por $0x0, $0x0;
	s0 =	simm.s32 $0x1010;
	v13 =	vshll.u32 v16, $0x2  }
0x1e7: {  	v12 =	vld [tilespmem:s0+$0x0];
	p3 =	seq.s32 s29, $0x1  }
.Ltmp37:
0x1e8: {  	_ = 	snop;
	(pc) =	sbr.rel @p3 .LBB2_58-.Ltmp37, $4  }
0x1e9: {  	_ = 	snop  }
0x1ea: {  	v11 =	vand.u32 $0x7F, v16;
	v13 =	vand.u32 $0xFFFFFE00, v13  }
0x1eb: {  	v11 =	vor.u32 v13, v11  }
0x1ec: {  	s0 =	sadd.s32 $0xFFFFFFFF, s29;
	s2 =	simm.s32 $0x1020;
	p0 =	por $0x1, $0x1;
	v11 =	vor.u32 $0x180, v11;
	v13 =	vshll.u32 v12, $0x2  }
0x1ed: {  	v16 =	vld [tilespmem:s2+$0x0];
	p3 =	seq.s32 s0, $0x1  }
.Ltmp38:
0x1ee: {  	_ = 	snop;
	(pc) =	sbr.rel @p3 .LBB2_60-.Ltmp38, $4  }
0x1ef: {  	_ = 	snop  }
0x1f0: {  	v12 =	vand.u32 $0x7F, v12;
	v13 =	vand.u32 $0xFFFFFE00, v13  }
0x1f1: {  	v13 =	vor.u32 v13, v12  }
0x1f2: {  	s0 =	sadd.s32 $0xFFFFFFFF, s0;
	s2 =	simm.s32 $0x1030;
	p1 =	por $0x1, $0x1;
	v12 =	vld.idx.msk [tilespmem:v11+s12+$0x0], $0xffff;
	v11 =	vor.u32 $0x180, v13;
	v13 =	vshll.u32 v16, $0x2  }
0x1f3: {  	_ =	sdelay $0x2  }
0x1f4: {  	v18 =	vld [tilespmem:s2+$0x0];
	v14 =	vand.u32 $0x7F, v16;
	v13 =	vand.u32 $0xFFFFFE00, v13;
	p3 =	seq.s32 s0, $0x1  }
.Ltmp39:
0x1f5: {  	v13 =	vor.u32 v13, v14;
	v15 =	vadd.f32 v12, v9;
	(pc) =	sbr.rel @p3 .LBB2_62-.Ltmp39, $4  }
0x1f6: {  	v14 =	vld.idx.msk [tilespmem:v11+s12+$0x0], $0xffff;
	v11 =	vor.u32 $0x180, v13  }
0x1f7: {  	v17 =	vor.u32 s30, v0;
	v16 =	vmul.f32 $2.000000030e-01, v15  }
0x1f8: {  	s2 =	sadd.s32 $0xFFFFFFFF, s0;
	vm0 =	vlt.s32 v17, v5  }
0x1f9: {  	s6 =	simm.s32 $0x1040;
	p2 =	por $0x1, $0x1;
	s0 =	simm.s32 $0x0;
	v13 =	vshll.u32 v18, $0x2;
	v17 =	vmax.f32 v15, v16;
	v15 =	vimm.f32 $-3.399999950e+38  }
.LBB2_63:
0x1fa: {  	p3 =	seq.s32 s2, $0x1;
	s2 =	sadd.s32 $0xFFFFFFFF, s2;
	v16 =	vand.u32 $0x7F, v18;
	v18 =	vld [tilespmem:s6+$0x0];
	v13 =	vand.u32 $0xFFFFFE00, v13;
	v17 =	vnsel vm0, $0xFF7FC99E, v17  }
.Ltmp40:
0x1fb: {  	v13 =	vor.u32 v13, v16;
	v16 =	vadd.f32 v14, v9;
	v14 =	vld.idx.msk [tilespmem:v11+s12+$0x0], $0xffff;
	v15 =	vmax.f32 v15, v17;
	(pc) =	sbr.rel @!p3 .LBB2_63-.Ltmp40, $4  }
0x1fc: {  	v11 =	vor.u32 $0x180, v13  }
0x1fd: {  	s0 =	sadd.s32 $0x10, s0;
	v17 =	vmul.f32 $2.000000030e-01, v16  }
0x1fe: {  	v19 =	vor.u32 s0, v0  }
0x1ff: {  	s6 =	sadd.s32 $0x10, s6;
	vm0 =	vlt.s32 v19, v5;
	v13 =	vshll.u32 v18, $0x2;
	v17 =	vmax.f32 v16, v17  }
0x200: {  	v16 =	vmov v18  }
.LBB2_65:
0x201: {  	_ = 	snop  }
0x202: {  	v16 =	vand.u32 $0x7F, v16;
	v13 =	vand.u32 $0xFFFFFE00, v13  }
0x203: {  	v13 =	vor.u32 v13, v16  }
0x204: {  	v13 =	vor.u32 $0x180, v13  }
0x205: {  	v11 =	vld.idx.msk @p0 [tilespmem:v11+s12+$0x0], $0xffff;
	_ =	sdelay $0x1  }
0x206: {  	v14 =	vadd.f32 @p1 v14, v9;
	_ =	sdelay $0x1  }
0x207: {  	s0 =	sadd.s32 @p2 $0x10, s0;
	s2 =	simm.s32 $0x0;
	v16 =	vmul.f32 @p1 $2.000000030e-01, v14;
	v13 =	vld.idx.msk [tilespmem:v13+s12+$0x0], $0xffff  }
0x208: {  	v17 =	vnsel @p2 vm0, $0xFF7FC99E, v17;
	s2 =	smov.u32 @p2 s0;
	v11 =	vpsel p0, v11, v12  }
0x209: {  	v14 =	vmax.f32 @p1 v14, v16;
	v12 =	vor.u32 @p1 s2, v0;
	v11 =	vadd.f32 @p0 v11, v9  }
0x20a: {  	s0 =	sadd.s32 @p1 $0x10, s2;
	s2 =	simm.s32 $0x0;
	v14 =	vpsel p1, v14, v0;
	vm0 =	vlt.s32 @p1 v12, v5;
	v12 =	vmax.f32 @p2 v15, v17  }
0x20b: {  	s2 =	smov.u32 @p1 s0;
	vm0 =	vmmov @p1 vm0;
	v12 =	vpsel p2, v12, v10;
	v15 =	vmul.f32 @p0 $2.000000030e-01, v11  }
0x20c: {  	v16 =	vor.u32 @p0 s2, v0;
	v14 =	vnsel @p1 vm0, $0xFF7FC99E, v14;
	v13 =	vadd.f32 v13, v9  }
0x20d: {  	s0 =	sadd.s32 @p0 $0x10, s2;
	vm0 =	vlt.s32 @p0 v16, v5;
	v12 =	vmax.f32 @p1 v12, v14;
	v11 =	vmax.f32 @p0 v11, v15  }
0x20e: {  	s30 =	smov.u32 @p0 s0;
	vm0 =	vmmov @p0 vm0;
	v11 =	vpsel p0, v11, v0;
	v61 =	vmul.f32 $2.000000030e-01, v13  }
0x20f: {  	v62 =	vor.u32 s30, v0;
	v12 =	vpsel p1, v12, v10;
	v11 =	vnsel @p0 vm0, $0xFF7FC99E, v11  }
0x210: {  	vm15 =	vlt.s32 v62, v5;
	v11 =	vmax.f32 @p0 v12, v11;
	v63 =	vmax.f32 v13, v61  }
0x211: {  	v10 =	vpsel p0, v11, v10;
	v11 =	vnsel vm15, $0xFF7FC99E, v63  }
0x212: {  	v10 =	vmax.f32 v10, v11  }
0x213: {  	(xrf0) =	vmax.scan.msk.f32 $0xffff, v10;
	_ =	sdelay $0x5  }
0x214: {  	v10, _, _ =	vpop (xrf0)  }
0x215: {  	v10 =	vperm.xlane v10, v4;
	_ =	sdelay $0x1  }
0x216: {  	(xrf0) =	vmax.scan.msk.f32 $0xffff, v10  }
0x217: {  	p1 =	sne.s32 s28, $0x1  }
.Ltmp41:
0x218: {  	_ = 	snop;
	(pc) =	sbr.rel @!p1 .LBB2_66-.Ltmp41, $2  }
0x219: {  	_ =	sdelay $0x2  }
0x21a: {  	s6 =	simm.s32 $0x0;
	s28 =	simm.s32 $0x0;
	p0 =	por $0x0, $0x0;
	v10 =	vimm.f32 $0.0e+00;
	v11, _, _ =	vpop (xrf0)  }
0x21b: {  	v12 =	vld [tilespmem:s6+$0x1000];
	_ =	sdelay $0x4  }
0x21c: {  	v13 =	vshll.u32 v12, $0x2  }
0x21d: {  	v12 =	vand.u32 $0x7F, v12;
	v13 =	vand.u32 $0xFFFFFE00, v13  }
0x21e: {  	v12 =	vor.u32 v13, v12  }
0x21f: {  	v12 =	vor.u32 $0x180, v12;
	_ =	sdelay $0x4  }
0x220: {  	v12 =	vld.idx.msk [tilespmem:v12+s12+$0x0], $0xffff;
	_ =	sdelay $0x4  }
0x221: {  	v12 =	vadd.f32 v12, v9;
	_ =	sdelay $0x1  }
0x222: {  	v63 =	vmul.f32 $2.000000030e-01, v12  }
0x223: {  	v14 =	vor.u32 s28, v0  }
0x224: {  	vm0 =	vlt.s32 v14, v5;
	v12 =	vmax.f32 v12, v63  }
0x225: {  	v12 =	vnsel vm0, $0xFF7FC99E, v12  }
0x226: {  	v12 =	vsub.f32 v12, v11;
	_ =	sdelay $0x1  }
0x227: {  	v12 =	vmul.f32 $1.442695020e+00, v12;
	_ =	sdelay $0x1  }
0x228: {  	(erf) = vpow2.f32 v12;
	_ =	sdelay $0x4  }
0x229: {  	p1 =	sne.s32 s29, $0x1  }
.Ltmp42:
0x22a: {  	_ = 	snop;
	(pc) =	sbr.rel @!p1 .LBB2_68-.Ltmp42, $4  }
0x22b: {  	_ = 	snop  }
0x22c: {  	s0 =	sand.u32 $0x70, s28;
	s2 =	sand.u32 $0xFFFFFE00, s28  }
0x22d: {  	s6 =	simm.s32 $0x10;
	p0 =	por $0x1, $0x1;
	s7 =	sor.u32 s0, s2;
	v12 =	vpop (erf)  }
0x22e: {  	s0 =	simm.s32 $0x40;
	s2 =	sadd.s32 $0xFFFFFFFF, s29;
	s29 =	simm.s32 $0x0;
	[tilespmem:s7+$0x6400] =	vst v12;
	v10 =	vadd.f32 v12, v10  }
.LBB2_69:
0x22f: {  	p1 =	sne.s32 s2, $0x1;
	v12 =	vld [tilespmem:s6+$0x1000];
	_ =	sdelay $0x4  }
0x230: {  	v13 =	vshll.u32 v12, $0x2  }
0x231: {  	v12 =	vand.u32 $0x7F, v12;
	v13 =	vand.u32 $0xFFFFFE00, v13  }
0x232: {  	v12 =	vor.u32 v13, v12  }
0x233: {  	v12 =	vor.u32 $0x180, v12;
	_ =	sdelay $0x4  }
0x234: {  	v12 =	vld.idx.msk [tilespmem:v12+s12+$0x0], $0xffff;
	_ =	sdelay $0x5  }
0x235: {  	v12 =	vadd.f32 v12, v9;
	_ =	sdelay $0x1  }
0x236: {  	s29 =	sadd.s32 $0x10, s29;
	v13 =	vmul.f32 $2.000000030e-01, v12  }
0x237: {  	v14 =	vor.u32 s29, v0  }
0x238: {  	vm0 =	vlt.s32 v14, v5;
	v12 =	vmax.f32 v12, v13  }
0x239: {  	v12 =	vnsel vm0, $0xFF7FC99E, v12  }
0x23a: {  	v12 =	vsub.f32 v12, v11;
	_ =	sdelay $0x1  }
0x23b: {  	v12 =	vmul.f32 $1.442695020e+00, v12;
	_ =	sdelay $0x1  }
0x23c: {  	(erf) = vpow2.f32 v12;
	_ =	sdelay $0x5  }
.Ltmp43:
0x23d: {  	(pc) =	sbr.rel @p1 .LBB2_69-.Ltmp43, $4  }
0x23e: {  	_ = 	snop  }
0x23f: {  	s7 =	sand.u32 $0xFFFFFE00, s0;
	s6 =	sand.u32 $0x70, s29  }
0x240: {  	s0 =	sadd.s32 $0x40, s0;
	s7 =	sor.u32 s6, s7;
	v12 =	vpop (erf)  }
0x241: {  	s2 =	sadd.s32 $0xFFFFFFFF, s2;
	s6 =	sshra.s32 s0, $0x2;
	[tilespmem:s7+$0x6400] =	vst v12;
	v10 =	vadd.f32 v12, v10  }
.LBB2_70:
0x242: {  	v12 =	vld [tilespmem:s6+$0x1000];
	_ =	sdelay $0x4  }
0x243: {  	v13 =	vshll.u32 v12, $0x2  }
0x244: {  	v12 =	vand.u32 $0x7F, v12;
	v13 =	vand.u32 $0xFFFFFE00, v13  }
0x245: {  	v12 =	vor.u32 v13, v12  }
0x246: {  	v12 =	vor.u32 $0x180, v12;
	_ =	sdelay $0x4  }
0x247: {  	v12 =	vld.idx.msk [tilespmem:v12+s12+$0x0], $0xffff;
	_ =	sdelay $0x4  }
0x248: {  	v9 =	vadd.f32 v12, v9  }
0x249: {  	s2 =	sadd.s32 @p0 $0x10, s29  }
0x24a: {  	s28 =	smov.u32 @p0 s2;
	v12 =	vmul.f32 $2.000000030e-01, v9  }
0x24b: {  	v63 =	vor.u32 s28, v0  }
0x24c: {  	vm0 =	vlt.s32 v63, v5;
	v5 =	vmax.f32 v9, v12  }
0x24d: {  	v5 =	vnsel vm0, $0xFF7FC99E, v5  }
0x24e: {  	v5 =	vsub.f32 v5, v11;
	_ =	sdelay $0x1  }
0x24f: {  	v5 =	vmul.f32 $1.442695020e+00, v5;
	_ =	sdelay $0x1  }
0x250: {  	(erf) = vpow2.f32 v5;
	_ =	sdelay $0x5  }
.Ltmp44:
0x251: {  	_ = 	snop;
	(pc) =	sbr.rel .LBB2_71-.Ltmp44, $4  }
0x252: {  	_ = 	snop  }
0x253: {  	s0 =	sand.u32 $0xFFFFFE00, s0;
	s2 =	sand.u32 $0x70, s28  }
0x254: {  	s0 =	sor.u32 s2, s0;
	v5 =	vpop (erf)  }
0x255: {  	[tilespmem:s0+$0x6400] =	vst v5;
	v5 =	vadd.f32 v5, v10  }
.LBB2_89:
0x256: {  	v5 =	vimm.f32 $0.0e+00  }
.LBB2_71:
0x257: {  	_ = 	snop  }
0x258: {  	(xrf2) =	vadd.scan.msk.f32 $0xffff, v5;
	_ =	sdelay $0x9  }
0x259: {  	v5, _, _ =	vpop (xrf2)  }
0x25a: {  	v5 =	vperm.xlane v5, v4;
	_ =	sdelay $0x1  }
0x25b: {  	(xrf0) =	vmax.scan.msk.f32 $0xffff, v5;
	_ =	sdelay $0x5  }
0x25c: {  	v5, _, _ =	vpop (xrf0)  }
0x25d: {  	(erf) = vrcp.f32 v5;
	_ =	sdelay $0x1  }
0x25e: {  	s0 =	sadd.s32 $0x8000001F, s26  }
0x25f: {  	s26 =	sshra.s32 s0, $0x5  }
0x260: {  	p0 =	slt.s32 s26, $0x1  }
.Ltmp45:
0x261: {  	_ = 	snop;
	(pc) =	sbr.rel @!p0 .LBB2_72-.Ltmp45, $4  }
.Ltmp46:
0x262: {  	_ = 	snop;
	(pc) =	sbr.rel @p0 .LBB2_83-.Ltmp46, $4  }
0x263: {  	v11 =	vimm.f32 $0.0e+00;
	v9 =	vimm.f32 $0.0e+00  }
0x264: {  	v10 =	vimm.f32 $0.0e+00;
	v12 =	vimm.f32 $0.0e+00;
	v13 =	vimm.f32 $0.0e+00  }
0x265: {  	s28 =	simm.s32 $0x0;
	s29 =	smov.u32 s25;
	v14 =	vimm.f32 $0.0e+00;
	v15 =	vimm.f32 $0.0e+00;
	v16 =	vimm.f32 $0.0e+00;
	s30 =	simm.s32 $0x0;
	v5 =	vpop (erf)  }
0x266: {  	_ = 	snop  }
.LBB2_74:
0x267: {  	v26 =	vmov v10;
	v28 =	vmov v9;
	v20 =	vmov v11  }
0x268: {  	s0 =	simm.s32 $0xA2C0;
	v21 =	vmovc v16;
	v22 =	vmovc v15;
	v23 =	vmov v14;
	v24 =	vmov v13;
	v27 =	vmov v12  }
.LBB2_81:
0x269: {  	v34 =	vld @p0 [tilespmem:s0+$0xFFFFFFC0]  }
0x26a: {  	v35 =	vld @p0 [tilespmem:s0+$0xFFFFFFD0]  }
0x26b: {  	v37 =	vld @p0 [tilespmem:s0+$0xFFFFFFF0]  }
0x26c: {  	v38 =	vld @p0 [tilespmem:s0+$0x0]  }
0x26d: {  	v33 =	vshll.u32 v30, $0x2;
	v40 =	vld @p0 [tilespmem:s0+$0x10]  }
0x26e: {  	v51 =	vand.u32 $0x7F, v30;
	v42 =	vld @p0 [tilespmem:s0+$0x20];
	v33 =	vand.u32 $0xFFFFFE00, v33  }
0x26f: {  	v30 =	vor.u32 v51, v33;
	v33 =	vld @p0 [tilespmem:s0+$0xFFFFFFE0];
	s0 =	sadd.s32 @p0 $0x80, s0  }
0x270: {  	s31 =	smov.u32 @p0 s0  }
0x271: {  	v43 =	vld [tilespmem:s31+$0x30]  }
0x272: {  	v53 =	vld [tilespmem:s31+$0xFFFFFFC0]  }
0x273: {  	v25 =	vmul.f32 @p0 v25, v29;
	v36 =	vor.u32 $0x180, v30;
	v54 =	vld [tilespmem:s31+$0xFFFFFFD0]  }
0x274: {  	v26 =	vadd.f32 @p1 v31, v26;
	v39 =	vor.u32 $0x80, v30;
	v55 =	vld [tilespmem:s31+$0xFFFFFFE0]  }
0x275: {  	v28 =	vadd.f32 @p1 v32, v28;
	v20 =	vadd.f32 @p0 v25, v20;
	v41 =	vor.u32 $0x100, v30;
	v56 =	vld [tilespmem:s31+$0xFFFFFFF0]  }
0x276: {  	v26 =	vpsel p1, v26, v10;
	v57 =	vld [tilespmem:s31+$0x0];
	v34 =	vmul.f32 @p0 v34, v17  }
0x277: {  	v28 =	vpsel p1, v28, v9;
	v11 =	vpsel p0, v20, v11;
	v17 =	vmul.f32 @p0 v35, v17;
	v30 =	vld.idx.msk [tilespmem:v30+s19+$0x0], $0xffff  }
0x278: {  	v21 =	vadd.f32 @p0 v34, v21;
	v25 =	vmul.f32 @p0 v33, v19;
	v19 =	vmul.f32 @p0 v37, v19;
	v36 =	vld.idx.msk [tilespmem:v36+s19+$0x0], $0xffff  }
0x279: {  	v17 =	vadd.f32 @p0 v17, v22;
	v22 =	vmov @p0 v29;
	v29 =	vmul.f32 @p0 v38, v18;
	v39 =	vld.idx.msk [tilespmem:v39+s19+$0x0], $0xffff  }
0x27a: {  	v18 =	vmul.f32 @p0 v40, v18;
	v52 =	vld.idx.msk [tilespmem:v41+s19+$0x0], $0xffff;
	v22 =	vmul.f32 @p0 v42, v22;
	v19 =	vadd.f32 @p0 v19, v24  }
0x27b: {  	v23 =	vadd.f32 @p0 v25, v23;
	v24 =	vadd.f32 @p0 v29, v27;
	v15 =	vpsel p0, v17, v15;
	v17 =	vld [tilespmem:s31+$0x10]  }
0x27c: {  	v18 =	vpsel p0, v18, v0;
	v16 =	vpsel p0, v21, v16;
	v13 =	vpsel p0, v19, v13;
	v19 =	vld [tilespmem:s31+$0x20]  }
0x27d: {  	v22 =	vpsel p0, v22, v0;
	v18 =	vadd.f32 @p0 v18, v26;
	v14 =	vpsel p0, v23, v14  }
0x27e: {  	v22 =	vadd.f32 @p0 v22, v28;
	v59 =	vmul.f32 v53, v30;
	v60 =	vmul.f32 v54, v30  }
0x27f: {  	v10 =	vpsel p0, v18, v10;
	v58 =	vmul.f32 v43, v36;
	v61 =	vmul.f32 v55, v39  }
0x280: {  	v62 =	vmul.f32 v56, v39;
	v63 =	vmul.f32 v57, v52;
	v16 =	vadd.f32 v59, v16  }
0x281: {  	v15 =	vadd.f32 v60, v15;
	v17 =	vmul.f32 v17, v52;
	v19 =	vmul.f32 v19, v36  }
0x282: {  	v9 =	vpsel p0, v22, v9;
	v11 =	vadd.f32 v58, v11;
	v14 =	vadd.f32 v61, v14  }
0x283: {  	v12 =	vpsel p0, v24, v12;
	v10 =	vadd.f32 v17, v10;
	v9 =	vadd.f32 v19, v9  }
0x284: {  	v13 =	vadd.f32 v62, v13;
	v12 =	vadd.f32 v63, v12  }
.LBB2_82:
0x285: {  	s30 =	sadd.s32 $0x1, s30  }
0x286: {  	p0 =	sne.s32 s30, s26  }
.Ltmp47:
0x287: {  	_ = 	snop;
	(pc) =	sbr.rel @!p0 .LBB2_83-.Ltmp47, $2  }
0x288: {  	_ =	sdelay $0x2  }
0x289: {  	s29 =	sadd.s32 $0xFFFFFFE0, s29;
	s28 =	sadd.s32 $0x20, s28  }
.LBB2_72:
0x28a: {  	s0 =	sshll.u32 s30, $0x5  }
0x28b: {  	s2 =	sadd.s32 $0x1000, s0;
	s0 =	ssub.s32 s25, s0  }
0x28c: {  	p0 =	slt.s32 s0, $0x1  }
.Ltmp48:
0x28d: {  	_ = 	snop;
	(pc) =	sbr.rel @p0 .LBB2_82-.Ltmp48, $4  }
0x28e: {  	[tilespmem:s17], [sflag:$0x1] =	stream.indirect.gather [hbm4b:s5+s16], $0x80, s2, s16, $0xb8;
	[tilespmem:$0xB300] =	vst v63  }
0x28f: {  	_ =	swait.ge [sflag:s18], $0x1000  }
0x290: {  	[sflag:s18] =	ssyncset.done $0x0  }
0x291: {  	[sflag:s18] =	ssyncadd.s32 $0xFFFFF000  }
0x292: {  	p0 =	sgt.s32 s29, $0x1;
	s0 =	smov.u32 s29  }
0x293: {  	s0 =	simm.s32 @!p0 $0x1  }
0x294: {  	s0 =	smin.u32 s0, $0x20  }
0x295: {  	p2 =	sne.s32 s0, $0x1  }
.Ltmp49:
0x296: {  	_ = 	snop;
	(pc) =	sbr.rel @!p2 .LBB2_74-.Ltmp49, $3  }
0x297: {  	_ =	sdelay $0x1  }
0x298: {  	s31 =	simm.s32 $0xA2C0  }
0x299: {  	v30 =	vmov s28;
	p1 =	por $0x0, $0x0;
	p0 =	por $0x0, $0x0;
	s0 =	sadd.s32 $0xFFFFFFFF, s0  }
0x29a: {  	v17 =	vshll.u32 v30, $0x2  }
0x29b: {  	v18 =	vand.u32 $0x7F, v30;
	v17 =	vand.u32 $0xFFFFFE00, v17  }
0x29c: {  	v17 =	vor.u32 v18, v17  }
0x29d: {  	v18 =	vor.u32 $0x180, v17  }
0x29e: {  	v19 =	vor.u32 $0x80, v17  }
0x29f: {  	p2 =	sne.s32 s0, $0x1;
	v20 =	vor.u32 $0x100, v17  }
.Ltmp50:
0x2a0: {  	v25 =	vld [tilespmem:s31+$0x30];
	(pc) =	sbr.rel @!p2 .LBB2_76-.Ltmp50, $4  }
0x2a1: {  	v17 =	vld.idx.msk [tilespmem:v17+s19+$0x0], $0xffff  }
0x2a2: {  	v29 =	vld.idx.msk [tilespmem:v18+s19+$0x0], $0xffff  }
0x2a3: {  	s2 =	sadd.s32 $0x1, s28;
	v19 =	vld.idx.msk [tilespmem:v19+s19+$0x0], $0xffff  }
0x2a4: {  	s6 =	sadd.s32 $0xFFFFFFFF, s0;
	p0 =	por $0x1, $0x1;
	v30 =	vmov s2;
	v18 =	vld.idx.msk [tilespmem:v20+s19+$0x0], $0xffff  }
0x2a5: {  	v20 =	vshll.u32 v30, $0x2;
	v21 =	vld [tilespmem:s31+$0xFFFFFFC0]  }
0x2a6: {  	v22 =	vand.u32 $0x7F, v30;
	v23 =	vld [tilespmem:s31+$0xFFFFFFD0];
	v20 =	vand.u32 $0xFFFFFE00, v20  }
0x2a7: {  	v26 =	vld [tilespmem:s31+$0xFFFFFFF0];
	v20 =	vor.u32 v22, v20  }
0x2a8: {  	v27 =	vld [tilespmem:s31+$0x0];
	v24 =	vor.u32 $0x180, v20  }
0x2a9: {  	v22 =	vld [tilespmem:s31+$0xFFFFFFE0]  }
0x2aa: {  	v30 =	vld [tilespmem:s31+$0x10];
	v28 =	vor.u32 $0x80, v20  }
0x2ab: {  	v34 =	vld [tilespmem:s31+$0x20];
	v25 =	vmul.f32 v25, v29;
	v32 =	vor.u32 $0x100, v20  }
0x2ac: {  	p2 =	sne.s32 s6, $0x1;
	v21 =	vmul.f32 v21, v17;
	v23 =	vmul.f32 v23, v17;
	v17 =	vld.idx.msk [tilespmem:v20+s19+$0x0], $0xffff  }
.Ltmp51:
0x2ad: {  	s0 =	simm.s32 $0xA340;
	v33 =	vld.idx.msk [tilespmem:v24+s19+$0x0], $0xffff;
	v24 =	vmul.f32 v26, v19;
	v26 =	vmul.f32 v27, v18;
	(pc) =	sbr.rel @!p2 .LBB2_78-.Ltmp51, $4  }
0x2ae: {  	v20 =	vadd.f32 v25, v11;
	v31 =	vmul.f32 v22, v19;
	v25 =	vld [tilespmem:s0+$0x30]  }
0x2af: {  	s2 =	sadd.s32 $0x1, s2;
	v21 =	vadd.f32 v21, v16;
	v22 =	vadd.f32 v23, v15;
	v19 =	vld.idx.msk [tilespmem:v28+s19+$0x0], $0xffff  }
0x2b0: {  	v28 =	vmovc v9;
	v23 =	vadd.f32 v31, v14;
	v31 =	vmul.f32 v30, v18;
	v30 =	vmov s2;
	v18 =	vld.idx.msk [tilespmem:v32+s19+$0x0], $0xffff  }
0x2b1: {  	s6 =	sadd.s32 $0xFFFFFFFF, s6;
	p1 =	por $0x1, $0x1;
	v32 =	vmul.f32 v34, v29;
	v24 =	vadd.f32 v24, v13;
	v27 =	vadd.f32 v26, v12;
	v26 =	vmovc v10  }
.LBB2_79:
0x2b2: {  	p2 =	sne.s32 s6, $0x1;
	v29 =	vshll.u32 v30, $0x2;
	v34 =	vld [tilespmem:s0+$0xFFFFFFC0];
	v26 =	vadd.f32 v31, v26  }
0x2b3: {  	v30 =	vand.u32 $0x7F, v30;
	v29 =	vand.u32 $0xFFFFFE00, v29;
	v31 =	vld [tilespmem:s0+$0xFFFFFFD0];
	v28 =	vadd.f32 v32, v28  }
0x2b4: {  	v32 =	vmov v33;
	v29 =	vor.u32 v30, v29;
	v30 =	vld [tilespmem:s0+$0xFFFFFFE0];
	v25 =	vmul.f32 v25, v33  }
0x2b5: {  	v35 =	vor.u32 $0x80, v29;
	v36 =	vor.u32 $0x100, v29;
	v33 =	vor.u32 $0x180, v29;
	v37 =	vld [tilespmem:s0+$0xFFFFFFF0]  }
0x2b6: {  	v38 =	vld [tilespmem:s0+$0x0];
	v20 =	vadd.f32 v25, v20  }
0x2b7: {  	v25 =	vmul.f32 v34, v17;
	v34 =	vld [tilespmem:s0+$0x10]  }
0x2b8: {  	v31 =	vmul.f32 v31, v17;
	v39 =	vld [tilespmem:s0+$0x20]  }
.Ltmp52:
0x2b9: {  	v17 =	vld.idx.msk [tilespmem:v29+s19+$0x0], $0xffff;
	v21 =	vadd.f32 v25, v21;
	v29 =	vmul.f32 v30, v19;
	(pc) =	sbr.rel @p2 .LBB2_79-.Ltmp52, $4  }
0x2ba: {  	s0 =	sadd.s32 $0x80, s0;
	v33 =	vld.idx.msk [tilespmem:v33+s19+$0x0], $0xffff;
	v22 =	vadd.f32 v31, v22;
	v30 =	vmul.f32 v37, v19  }
0x2bb: {  	v25 =	vld [tilespmem:s0+$0x30];
	v23 =	vadd.f32 v29, v23;
	v29 =	vmul.f32 v38, v18  }
0x2bc: {  	s2 =	sadd.s32 $0x1, s2;
	v19 =	vld.idx.msk [tilespmem:v35+s19+$0x0], $0xffff;
	v24 =	vadd.f32 v30, v24;
	v31 =	vmul.f32 v34, v18  }
0x2bd: {  	s6 =	sadd.s32 $0xFFFFFFFF, s6;
	v30 =	vmov s2;
	v18 =	vld.idx.msk [tilespmem:v36+s19+$0x0], $0xffff;
	v27 =	vadd.f32 v29, v27;
	v32 =	vmul.f32 v39, v32  }
.Ltmp53:
0x2be: {  	(pc) =	sbr.rel .LBB2_81-.Ltmp53, $2  }
0x2bf: {  	_ =	sdelay $0x2  }
0x2c0: {  	v29 =	vmov v33  }
.LBB2_76:
.Ltmp54:
0x2c1: {  	(pc) =	sbr.rel .LBB2_81-.Ltmp54, $3  }
0x2c2: {  	_ =	sdelay $0x1  }
0x2c3: {  	v26 =	vmov v10;
	v28 =	vmov v9;
	v20 =	vmov v11  }
0x2c4: {  	s0 =	simm.s32 $0xA2C0;
	v21 =	vmovc v16;
	v22 =	vmovc v15;
	v23 =	vmov v14;
	v24 =	vmov v13;
	v27 =	vmov v12  }
.LBB2_78:
.Ltmp55:
0x2c5: {  	(pc) =	sbr.rel .LBB2_81-.Ltmp55, $2  }
0x2c6: {  	_ =	sdelay $0x2  }
0x2c7: {  	v26 =	vmov v10;
	v28 =	vmov v9;
	v29 =	vmov v33  }
.LBB2_6:
.Ltmp56:
0x2c8: {  	(pc) =	sbr.rel .LBB2_14-.Ltmp56, $2  }
0x2c9: {  	_ =	sdelay $0x2  }
0x2ca: {  	v11 =	vimm.f32 $-3.399999950e+38;
	s0 =	simm.s32 $0x0  }
.LBB2_15:
.Ltmp57:
0x2cb: {  	(pc) =	sbr.rel .LBB2_19-.Ltmp57, $2  }
0x2cc: {  	_ =	sdelay $0x2  }
0x2cd: {  	s30 =	simm.s32 $0x0;
	s31 =	simm.s32 $0x0  }
.LBB2_22:
.Ltmp58:
0x2ce: {  	(pc) =	sbr.rel .LBB2_31-.Ltmp58, $2  }
0x2cf: {  	_ =	sdelay $0x2  }
0x2d0: {  	v13 =	vimm.f32 $-3.399999950e+38;
	s0 =	simm.s32 $0x0  }
.LBB2_32:
.Ltmp59:
0x2d1: {  	(pc) =	sbr.rel .LBB2_36-.Ltmp59, $2  }
0x2d2: {  	_ =	sdelay $0x2  }
0x2d3: {  	s30 =	simm.s32 $0x0;
	s0 =	simm.s32 $0x0  }
.LBB2_39:
.Ltmp60:
0x2d4: {  	(pc) =	sbr.rel .LBB2_48-.Ltmp60, $2  }
0x2d5: {  	_ =	sdelay $0x2  }
0x2d6: {  	v14 =	vimm.f32 $-3.399999950e+38;
	s0 =	simm.s32 $0x0  }
.LBB2_49:
.Ltmp61:
0x2d7: {  	(pc) =	sbr.rel .LBB2_53-.Ltmp61, $2  }
0x2d8: {  	_ =	sdelay $0x2  }
0x2d9: {  	s30 =	simm.s32 $0x0;
	s0 =	simm.s32 $0x0  }
.LBB2_56:
.Ltmp62:
0x2da: {  	(pc) =	sbr.rel .LBB2_65-.Ltmp62, $2  }
0x2db: {  	_ =	sdelay $0x2  }
0x2dc: {  	v15 =	vimm.f32 $-3.399999950e+38;
	s0 =	simm.s32 $0x0  }
.LBB2_66:
.Ltmp63:
0x2dd: {  	(pc) =	sbr.rel .LBB2_70-.Ltmp63, $2  }
0x2de: {  	_ =	sdelay $0x2  }
0x2df: {  	s29 =	simm.s32 $0x0;
	s0 =	simm.s32 $0x0  }
.LBB2_8:
.Ltmp64:
0x2e0: {  	(pc) =	sbr.rel .LBB2_14-.Ltmp64, $2  }
0x2e1: {  	_ =	sdelay $0x2  }
0x2e2: {  	v11 =	vimm.f32 $-3.399999950e+38;
	s0 =	simm.s32 $0x0  }
.LBB2_17:
.Ltmp65:
0x2e3: {  	(pc) =	sbr.rel .LBB2_19-.Ltmp65, $2  }
0x2e4: {  	_ =	sdelay $0x2  }
0x2e5: {  	s30 =	simm.s32 $0x0  }
.LBB2_24:
.Ltmp66:
0x2e6: {  	(pc) =	sbr.rel .LBB2_31-.Ltmp66, $2  }
0x2e7: {  	_ =	sdelay $0x2  }
0x2e8: {  	v14 =	vmov v10;
	v13 =	vimm.f32 $-3.399999950e+38;
	s0 =	simm.s32 $0x0  }
.LBB2_34:
.Ltmp67:
0x2e9: {  	(pc) =	sbr.rel .LBB2_36-.Ltmp67, $2  }
0x2ea: {  	_ =	sdelay $0x2  }
0x2eb: {  	s30 =	simm.s32 $0x0  }
.LBB2_41:
.Ltmp68:
0x2ec: {  	(pc) =	sbr.rel .LBB2_48-.Ltmp68, $2  }
0x2ed: {  	_ =	sdelay $0x2  }
0x2ee: {  	v15 =	vmov v11;
	v14 =	vimm.f32 $-3.399999950e+38;
	s0 =	simm.s32 $0x0  }
.LBB2_51:
.Ltmp69:
0x2ef: {  	(pc) =	sbr.rel .LBB2_53-.Ltmp69, $2  }
0x2f0: {  	_ =	sdelay $0x2  }
0x2f1: {  	s30 =	simm.s32 $0x0  }
.LBB2_58:
.Ltmp70:
0x2f2: {  	(pc) =	sbr.rel .LBB2_65-.Ltmp70, $2  }
0x2f3: {  	_ =	sdelay $0x2  }
0x2f4: {  	v16 =	vmov v12;
	v15 =	vimm.f32 $-3.399999950e+38;
	s0 =	simm.s32 $0x0  }
.LBB2_68:
.Ltmp71:
0x2f5: {  	(pc) =	sbr.rel .LBB2_70-.Ltmp71, $2  }
0x2f6: {  	_ =	sdelay $0x2  }
0x2f7: {  	s29 =	simm.s32 $0x0  }
.LBB2_10:
.Ltmp72:
0x2f8: {  	_ = 	snop;
	(pc) =	sbr.rel .LBB2_14-.Ltmp72, $2  }
0x2f9: {  	_ =	sdelay $0x2  }
0x2fa: {  	v11 =	vimm.f32 $-3.399999950e+38;
	s0 =	simm.s32 $0x0;
	v10 =	vmov v9  }
.LBB2_26:
.Ltmp73:
0x2fb: {  	_ = 	snop;
	(pc) =	sbr.rel .LBB2_31-.Ltmp73, $2  }
0x2fc: {  	_ =	sdelay $0x2  }
0x2fd: {  	v13 =	vimm.f32 $-3.399999950e+38;
	s0 =	simm.s32 $0x0;
	v12 =	vmov v10  }
.LBB2_43:
.Ltmp74:
0x2fe: {  	_ = 	snop;
	(pc) =	sbr.rel .LBB2_48-.Ltmp74, $2  }
0x2ff: {  	_ =	sdelay $0x2  }
0x300: {  	v14 =	vimm.f32 $-3.399999950e+38;
	s0 =	simm.s32 $0x0;
	v13 =	vmov v11  }
.LBB2_60:
.Ltmp75:
0x301: {  	_ = 	snop;
	(pc) =	sbr.rel .LBB2_65-.Ltmp75, $2  }
0x302: {  	_ =	sdelay $0x2  }
0x303: {  	v15 =	vimm.f32 $-3.399999950e+38;
	s0 =	simm.s32 $0x0;
	v14 =	vmov v12  }
.LBB2_12:
.Ltmp76:
0x304: {  	(pc) =	sbr.rel .LBB2_14-.Ltmp76, $2  }
0x305: {  	_ =	sdelay $0x2  }
0x306: {  	v11 =	vimm.f32 $-3.399999950e+38;
	s0 =	simm.s32 $0x0  }
.LBB2_28:
.Ltmp77:
0x307: {  	(pc) =	sbr.rel .LBB2_31-.Ltmp77, $2  }
0x308: {  	_ =	sdelay $0x2  }
0x309: {  	v14 =	vmov v16;
	v13 =	vimm.f32 $-3.399999950e+38;
	s0 =	simm.s32 $0x0  }
.LBB2_45:
.Ltmp78:
0x30a: {  	(pc) =	sbr.rel .LBB2_48-.Ltmp78, $2  }
0x30b: {  	_ =	sdelay $0x2  }
0x30c: {  	v15 =	vmov v17;
	v14 =	vimm.f32 $-3.399999950e+38;
	s0 =	simm.s32 $0x0  }
.LBB2_62:
.Ltmp79:
0x30d: {  	(pc) =	sbr.rel .LBB2_65-.Ltmp79, $2  }
0x30e: {  	_ =	sdelay $0x2  }
0x30f: {  	v16 =	vmov v18;
	v15 =	vimm.f32 $-3.399999950e+38;
	s0 =	simm.s32 $0x0  }
.LBB2_85:
0x310: {  	_ =	sfence.sel $0x180000  }
0x311: {  	[bflag:$0x0] =	sbarrier.arrive $0xFFFF  }
0x312: {  	_ =	strace $0x90000047  }
0x313: {  	s0 =	stileid.u32;
	[bflag:$0x2] =	sbarrier.arrive $0xFFFF  }
0x314: {  	p0 =	sne.s32 s0, $0x0;
	s0 =	rddreg [dreg:$0x3]  }
0x315: {  	s0 =	sadd.s32 @!p0 $0x100000, s0  }
0x316: {  	[sflag:s0] =	ssyncadd.tile.s32 @!p0 $0x1;
	_ =	shalt  }
.Lfunc_end2:
_tile_overlayer_lowered:
.L_overlay_start_2:
0x317: {  	(tag) =	ssettag $0x2  }
0x318: {  	s0 =	rddreg [dreg:$0x0];
	s2 =	stileid.u32  }
0x319: {  	s1 =	rddreg [dreg:$0x1];
	p0 =	sne.s32 s2, $0x0  }
0x31a: {  	s3 =	rddreg [dreg:$0x2];
	[bflag:$0x3] =	sbarrier.arrive $0xFFFF;
	s2 =	simm.s32 @!p0 $0x1C02  }
0x31b: {  	[timem:s3], [sflag:s2] =	dma.local @!p0 [hbm:s0], s1  }
0x31c: {  	s0 =	simm.s32 @!p0 $0x2  }
0x31d: {  	_ =	swait.ge @!p0 [sflag:s0], s1  }
0x31e: {  	s1 =	ssub.s32 @!p0 $0x0, s1;
	[sflag:s0] =	ssyncset.done @!p0 $0x0  }
0x31f: {  	[sflag:s0] =	ssyncadd.s32 @!p0 s1  }
0x320: {  	[bflag:$0x3] =	sbarrier.arrive $0xFFFF  }
0x321: {  	_ =	shalt  }

</sc_bundles>
